<compile_context>
chip_gen: v7x
topology: tpu7x:2x2x1
jax: 0.10.2.dev20260603
libtpu: 0.0.44.dev20260713+nightly
codegen_flags: <defaults>
</compile_context>

<pallas_src>
import functools

import jax
import jax.numpy as jnp
from jax.experimental import pallas as pl
from jax.experimental.pallas import tpu as pltpu
from jax.experimental.pallas import tpu_sc as plsc

_NUM_SEGMENTS = 256
_WIN = 16
_CHUNK = 2500
_SUPER = 25000


def _final(out_ref, acc_ref, asum_ref, wm_ref, bm_ref, B):
    denom = asum_ref[...]
    denom = jnp.where(denom == 0.0, 1.0, denom)
    pooled = jax.lax.dot_general(
        acc_ref[...], wm_ref[...], (((1,), (0,)), ((), ())),
        preferred_element_type=jnp.float32)
    out_ref[...] = pooled / denom + bm_ref[...]


def _fast_body(G, Nb, C, B, S, bases_ref, x_ref, pos_ref, bid_ref,
               wg_ref, bg_ref, wm_ref, bm_ref, out_ref, acc_ref, asum_ref):
    i = pl.program_id(0)
    Kc = Nb // C

    @pl.when(i == 0)
    def _():
        acc_ref[...] = jnp.zeros_like(acc_ref)
        asum_ref[...] = jnp.zeros_like(asum_ref)

    a_t = jax.lax.dot_general(wg_ref[...].astype(jnp.bfloat16),
                              x_ref[...].astype(jnp.bfloat16),
                              (((0,), (1,)), ((), ())),
                              preferred_element_type=jnp.float32)
    alpha_all = pos_ref[0] * jnp.exp(a_t + bg_ref[...])
    ones_c = jnp.ones((C, 1), dtype=jnp.bfloat16)
    for k in range(Kc):
        xb = x_ref[pl.ds(k * C, C), :]
        alpha_t = alpha_all[:, k * C:(k + 1) * C]
        bid = bid_ref[0, :, pl.ds(k * C, C)]
        base = bases_ref[i * Kc + k]
        sel = (jax.lax.broadcasted_iota(jnp.int32, (S, C), 0) + base) == bid
        ohw = jnp.where(sel, alpha_t, 0.0)
        upd = jax.lax.dot_general(ohw, xb, (((1,), (0,)), ((), ())),
                                  preferred_element_type=jnp.float32)
        acc_ref[pl.ds(base, S), :] += upd
        asum_ref[pl.ds(base, S), :] += jax.lax.dot_general(
            ohw.astype(jnp.bfloat16), ones_c, (((1,), (0,)), ((), ())),
            preferred_element_type=jnp.float32)

    @pl.when(i == G - 1)
    def _():
        _final(out_ref, acc_ref, asum_ref, wm_ref, bm_ref, B)


def _body(G, Nb, B, N, S, bases_ref, x_ref, pos_ref, bid_ref,
          wg_ref, bg_ref, wm_ref, bm_ref, out_ref, acc_ref, asum_ref):
    i = pl.program_id(0)

    @pl.when(i == 0)
    def _():
        acc_ref[...] = jnp.zeros_like(acc_ref)
        asum_ref[...] = jnp.zeros_like(asum_ref)

    xb = x_ref[...]
    if N % Nb != 0:
        valid_col = (jax.lax.broadcasted_iota(jnp.int32, (Nb, 1), 0)
                     + i * Nb) < N
        xb = jnp.where(valid_col, xb, 0.0)
    a_t = jax.lax.dot_general(wg_ref[...], xb, (((0,), (1,)), ((), ())),
                              preferred_element_type=jnp.float32)
    alpha_t = pos_ref[0] * jnp.exp(a_t + bg_ref[...])
    if N % Nb != 0:
        valid = (jax.lax.broadcasted_iota(jnp.int32, (1, Nb), 1)
                 + i * Nb) < N
        alpha_t = jnp.where(valid, alpha_t, 0.0)
    bid = bid_ref[0]
    base = bases_ref[i] if S < B else 0
    sel = (jax.lax.broadcasted_iota(jnp.int32, (S, Nb), 0) + base) == bid
    ohw = jnp.where(sel, alpha_t, 0.0)
    upd = jax.lax.dot_general(ohw, xb, (((1,), (0,)), ((), ())),
                              preferred_element_type=jnp.float32)
    acc_ref[pl.ds(base, S), :] += upd
    asum_ref[pl.ds(base, S), :] += jnp.sum(ohw, axis=1, keepdims=True)

    @pl.when(i == G - 1)
    def _():
        _final(out_ref, acc_ref, asum_ref, wm_ref, bm_ref, B)


def _grid_spec(G, Nb, B, D):
    return pltpu.PrefetchScalarGridSpec(
        num_scalar_prefetch=1,
        grid=(G,),
        in_specs=[
            pl.BlockSpec((Nb, D), lambda i, s: (i, 0)),
            pl.BlockSpec((1, 1, Nb), lambda i, s: (i, 0, 0)),
            pl.BlockSpec((1, 1, Nb), lambda i, s: (i, 0, 0)),
            pl.BlockSpec((D, 1), lambda i, s: (0, 0)),
            pl.BlockSpec((1, 1), lambda i, s: (0, 0)),
            pl.BlockSpec((D, D), lambda i, s: (0, 0)),
            pl.BlockSpec((1, D), lambda i, s: (0, 0)),
        ],
        out_specs=pl.BlockSpec((B, D), lambda i, s: (0, 0)),
        scratch_shapes=[pltpu.VMEM((B, D), jnp.float32),
                        pltpu.VMEM((B, 1), jnp.float32)],
    )


def _make_fast(G, Nb, C, B, S, D):
    return pl.pallas_call(
        functools.partial(_fast_body, G, Nb, C, B, S),
        grid_spec=_grid_spec(G, Nb, B, D),
        out_shape=jax.ShapeDtypeStruct((B, D), jnp.float32))


def _make_single(G, Nb, B, N, S, D):
    return pl.pallas_call(
        functools.partial(_body, G, Nb, B, N, S),
        grid_spec=_grid_spec(G, Nb, B, D),
        out_shape=jax.ShapeDtypeStruct((B, D), jnp.float32))


def _sc_meta(N, C, Kt, B, S):
    J = -(-Kt // 16)
    mesh = plsc.VectorSubcoreMesh(core_axis_name="c", subcore_axis_name="s")

    @functools.partial(
        pl.kernel,
        out_type=(jax.ShapeDtypeStruct((16 * J,), jnp.int32),
                  jax.ShapeDtypeStruct((16 * J,), jnp.int32)),
        mesh=mesh,
        scratch_types=[pltpu.VMEM((16 * J,), jnp.int32),
                       pltpu.VMEM((16 * J,), jnp.int32),
                       pltpu.VMEM((16 * J,), jnp.int32),
                       pltpu.VMEM((16 * J,), jnp.int32),
                       pltpu.SemaphoreType.DMA],
    )
    def k(bid_hbm, bases_out, flag_out, idx_v, vals_v, bases_v, flag_v, sem):
        cid = jax.lax.axis_index("c")
        sid = jax.lax.axis_index("s")
        one = jnp.ones((16,), jnp.int32)
        zero = jnp.zeros((16,), jnp.int32)

        @pl.when(jnp.logical_and(cid == 0, sid == 0))
        def _():
            for j in range(J):
                k_ids = jax.lax.iota(jnp.int32, 16) + (16 * j)
                k_ids = jnp.minimum(k_ids, Kt - 1)
                idx_v[pl.ds(16 * j, 16)] = k_ids * C
            pltpu.async_copy(bid_hbm.at[idx_v], vals_v, sem).wait()
            for j in range(J):
                f = vals_v[pl.ds(16 * j, 16)]
                bases_v[pl.ds(16 * j, 16)] = jnp.minimum(
                    jnp.bitwise_and(f, -8), B - S)
                idx_v[pl.ds(16 * j, 16)] = idx_v[pl.ds(16 * j, 16)] + (C - 1)
            pltpu.async_copy(bid_hbm.at[idx_v], vals_v, sem).wait()
            for j in range(J):
                last = vals_v[pl.ds(16 * j, 16)]
                small = (last - bases_v[pl.ds(16 * j, 16)]) < S
                flag_v[pl.ds(16 * j, 16)] = jnp.where(small, one, zero)
            pltpu.sync_copy(bases_v, bases_out)
            pltpu.sync_copy(flag_v, flag_out)

    return k


def _ranges(batch_index, G, Nb, B, S):
    bid_r = batch_index.reshape(G, Nb)
    firsts = bid_r[:, 0]
    lasts = bid_r[:, -1]
    bases = jnp.minimum((firsts // 8) * 8, B - S)
    all_small = jnp.all(lasts - bases < S)
    return bases, all_small


def kernel(x, edge_index, pos, batch_index, W_gate, b_gate, W_msg, b_msg):
    del edge_index
    N, D = x.shape
    B = _NUM_SEGMENTS
    bg2 = b_gate.reshape(1, 1)
    bm2 = b_msg.reshape(1, D)

    if N % _SUPER == 0:
        G, Nb, C, S = N // _SUPER, _SUPER, _CHUNK, _WIN
        Kt = N // C
        bases_p, flags_p = _sc_meta(N, C, Kt, B, S)(batch_index)
        bases = bases_p[:Kt]
        all_small = jnp.all(flags_p[:Kt] == 1)
        pos3 = pos.reshape(G, 1, Nb)
        bid3 = batch_index.reshape(G, 1, Nb)
        ops = (bases, x, pos3, bid3, W_gate, bg2, W_msg, bm2)
        Gs, Nbs = N // 5000, 5000
        return jax.lax.cond(
            all_small,
            lambda o: _make_fast(G, Nb, C, B, S, D)(*o),
            lambda o: _make_single(Gs, Nbs, B, N, B, D)(
                o[0][:Gs], o[1], o[2].reshape(Gs, 1, Nbs),
                o[3].reshape(Gs, 1, Nbs), *o[4:]),
            ops)

    S = 32
    Nb = 2000 if N % 2000 == 0 else 1024
    G = -(-N // Nb)
    pad = G * Nb - N
    if pad:
        pos = jnp.pad(pos, (0, pad))
        batch_index = jnp.pad(batch_index, (0, pad), mode="edge")
    bases, all_small = _ranges(batch_index, G, Nb, B, S)
    pos3 = pos.reshape(G, 1, Nb)
    bid3 = batch_index.reshape(G, 1, Nb)
    ops = (bases, x, pos3, bid3, W_gate, bg2, W_msg, bm2)
    return jax.lax.cond(
        all_small,
        lambda o: _make_single(G, Nb, B, N, S, D)(*o),
        lambda o: _make_single(G, Nb, B, N, B, D)(*o),
        ops)

# --- scband reference (transcript-rebuilt; emitter-appended) ---
"""Pipeline reference for scband-weighted-attention-pooling-comp-53274774340081 (READ-ONLY COPY).

The authoritative reference and input builder live on the scoring server;
editing this copy changes nothing except your own understanding.
"""

import jax, jax.numpy as jnp
import numpy as np

N = 100000
D = 128
B = 256
E = 1600000


def setup_inputs(seed: int = 0) -> dict:
    key = jax.random.key(seed)
    ks = jax.random.split(key, 8)
    x = jax.random.normal(ks[0], (N, D), dtype=jnp.float32)
    edge_index = jax.random.randint(ks[1], (2, E), 0, N, dtype=jnp.int32)
    pos = jax.random.uniform(ks[2], (N,), dtype=jnp.float32)
    batch_index = jnp.sort(jax.random.randint(ks[3], (N,), 0, B, dtype=jnp.int32))
    # gate_nn = Linear(D, 1), message_nn = Linear(D, D)
    W_gate = jax.random.normal(ks[4], (D, 1), dtype=jnp.float32) * (1.0 / np.sqrt(D))
    b_gate = jnp.zeros((1,), dtype=jnp.float32)
    W_msg = jax.random.normal(ks[5], (D, D), dtype=jnp.float32) * (1.0 / np.sqrt(D))
    b_msg = jnp.zeros((D,), dtype=jnp.float32)
    return {
        "x": x,
        "edge_index": edge_index,
        "pos": pos,
        "batch_index": batch_index,
        "W_gate": W_gate,
        "b_gate": b_gate,
        "W_msg": W_msg,
        "b_msg": b_msg,
    }


def reference(x, edge_index, pos, batch_index, W_gate, b_gate, W_msg, b_msg):
    # gate_nn(x) -> [N, 1]
    alpha = jnp.dot(x, W_gate) + b_gate
    # weights * exp(alpha).squeeze(-1)
    alpha = pos * jnp.exp(alpha)[:, 0]
    # scatter-sum normalization per graph
    alpha_sum = jax.ops.segment_sum(alpha, batch_index, num_segments=B)
    alpha = alpha / alpha_sum[batch_index]
    # message_nn(x) -> [N, D]
    beta = jnp.dot(x, W_msg) + b_msg
    # weighted scatter-add pooling -> [B, D]
    out = jax.ops.segment_sum(alpha[:, None] * beta, batch_index, num_segments=B)
    return out

if __name__ == "__main__":
    import jax
    _d = setup_inputs()
    print(jax.jit(kernel)(*tuple(_d.values())))

</pallas_src>

<mosaic_0001>
#map = affine_map<(d0, d1) -> (0)>
module attributes {stable_mosaic.version = 14 : i64} {
  func.func @k(%arg0: i32, %arg1: i32, %arg2: memref<100000xi32, #tpu.memory_space<hbm>>, %arg3: memref<48xi32, #tpu.memory_space<hbm>>, %arg4: memref<48xi32, #tpu.memory_space<hbm>>, %arg5: memref<48xi32, #tpu.memory_space<vmem>>, %arg6: memref<48xi32, #tpu.memory_space<vmem>>, %arg7: memref<48xi32, #tpu.memory_space<vmem>>, %arg8: memref<48xi32, #tpu.memory_space<vmem>>, %arg9: memref<!tpu.dma_semaphore, #tpu.memory_space<semaphore_mem>>) attributes {dimension_semantics = [#tpu.dimension_semantics<core_parallel>, #tpu.dimension_semantics<subcore_parallel>], iteration_bounds = array<i64: 2, 16>, scalar_prefetch = 0 : i64, scratch_operands = 5 : i64, tpu.core_type = #tpu.core_type<sc_vector_subcore>, window_params = [{transform_indices = #map}, {transform_indices = #map}, {transform_indices = #map}]} {
    %broadcast_in_dim3A = arith.constant 1 : i32
    %broadcast_in_dim3A_0 = vector.broadcast %broadcast_in_dim3A : i32 to vector<16xi32>
    %broadcast_in_dim3A_1 = arith.constant 0 : i32
    %broadcast_in_dim3A_2 = vector.broadcast %broadcast_in_dim3A_1 : i32 to vector<16xi32>
    %eq3A = arith.constant 0 : i32
    %eq3A_3 = arith.cmpi eq, %arg0, %eq3A : i32
    %eq3A_4 = arith.constant 0 : i32
    %eq3A_5 = arith.cmpi eq, %arg1, %eq3A_4 : i32
    %and3A = arith.andi %eq3A_3, %eq3A_5 : i1
    %convert_element_type3A = arith.extui %and3A : i1 to i32
    %cond3A = arith.constant 0 : i32
    %cond3A_6 = arith.cmpi ne, %convert_element_type3A, %cond3A : i32
    scf.if %cond3A_6 {
      %iota3A = tpu.iota {dimensions = array<i32: 0>} : vector<16xi32>
      %add3A = arith.constant 0 : i32
      %add3A_7 = vector.broadcast %add3A : i32 to vector<16xi32>
      %add3A_8 = arith.addi %iota3A, %add3A_7 : vector<16xi32>
      %min3A = arith.constant 39 : i32
      %min3A_9 = vector.broadcast %min3A : i32 to vector<16xi32>
      %min3A_10 = arith.minsi %add3A_8, %min3A_9 : vector<16xi32>
      %mul3A = arith.constant 2500 : i32
      %mul3A_11 = vector.broadcast %mul3A : i32 to vector<16xi32>
      %mul3A_12 = arith.muli %min3A_10, %mul3A_11 : vector<16xi32>
      %swap3A = arith.constant 0 : index
      %swap3A_13 = tpu.vector_load %arg5[%swap3A] {strides = array<i32>} : memref<48xi32, #tpu.memory_space<vmem>>, vector<16xi32>,
      %swap3A_14 = vector.shape_cast %swap3A_13 : vector<16xi32> to vector<16xi32>
      %swap3A_15 = vector.shape_cast %mul3A_12 : vector<16xi32> to vector<16xi32>
      tpu.vector_store %arg5[%swap3A], %swap3A_15 {strides = array<i32>} : memref<48xi32, #tpu.memory_space<vmem>>, vector<16xi32>,
      %iota3A_16 = tpu.iota {dimensions = array<i32: 0>} : vector<16xi32>
      %add3A_17 = arith.constant 16 : i32
      %add3A_18 = vector.broadcast %add3A_17 : i32 to vector<16xi32>
      %add3A_19 = arith.addi %iota3A_16, %add3A_18 : vector<16xi32>
      %min3A_20 = arith.constant 39 : i32
      %min3A_21 = vector.broadcast %min3A_20 : i32 to vector<16xi32>
      %min3A_22 = arith.minsi %add3A_19, %min3A_21 : vector<16xi32>
      %mul3A_23 = arith.constant 2500 : i32
      %mul3A_24 = vector.broadcast %mul3A_23 : i32 to vector<16xi32>
      %mul3A_25 = arith.muli %min3A_22, %mul3A_24 : vector<16xi32>
      %swap3A_26 = arith.constant 16 : index
      %swap3A_27 = tpu.vector_load %arg5[%swap3A_26] {strides = array<i32>} : memref<48xi32, #tpu.memory_space<vmem>>, vector<16xi32>,
      %swap3A_28 = vector.shape_cast %swap3A_27 : vector<16xi32> to vector<16xi32>
      %swap3A_29 = vector.shape_cast %mul3A_25 : vector<16xi32> to vector<16xi32>
      tpu.vector_store %arg5[%swap3A_26], %swap3A_29 {strides = array<i32>} : memref<48xi32, #tpu.memory_space<vmem>>, vector<16xi32>,
      %iota3A_30 = tpu.iota {dimensions = array<i32: 0>} : vector<16xi32>
      %add3A_31 = arith.constant 32 : i32
      %add3A_32 = vector.broadcast %add3A_31 : i32 to vector<16xi32>
      %add3A_33 = arith.addi %iota3A_30, %add3A_32 : vector<16xi32>
      %min3A_34 = arith.constant 39 : i32
      %min3A_35 = vector.broadcast %min3A_34 : i32 to vector<16xi32>
      %min3A_36 = arith.minsi %add3A_33, %min3A_35 : vector<16xi32>
      %mul3A_37 = arith.constant 2500 : i32
      %mul3A_38 = vector.broadcast %mul3A_37 : i32 to vector<16xi32>
      %mul3A_39 = arith.muli %min3A_36, %mul3A_38 : vector<16xi32>
      %swap3A_40 = arith.constant 32 : index
      %swap3A_41 = tpu.vector_load %arg5[%swap3A_40] {strides = array<i32>} : memref<48xi32, #tpu.memory_space<vmem>>, vector<16xi32>,
      %swap3A_42 = vector.shape_cast %swap3A_41 : vector<16xi32> to vector<16xi32>
      %swap3A_43 = vector.shape_cast %mul3A_39 : vector<16xi32> to vector<16xi32>
      tpu.vector_store %arg5[%swap3A_40], %swap3A_43 {strides = array<i32>} : memref<48xi32, #tpu.memory_space<vmem>>, vector<16xi32>,
      %dma_start3A = arith.constant 0 : i32
      %dma_start3A_44 = tpu.memref_slice %arg2[%dma_start3A] : memref<100000xi32, #tpu.memory_space<hbm>> -> memref<100000xi32, #tpu.memory_space<hbm>>
      tpu.enqueue_indirect_dma source(%dma_start3A_44 : memref<100000xi32, #tpu.memory_space<hbm>>) target(%arg6 : memref<48xi32, #tpu.memory_space<vmem>>) offsets(%arg5 : memref<48xi32, #tpu.memory_space<vmem>>) semaphore(%arg9 : memref<!tpu.dma_semaphore, #tpu.memory_space<semaphore_mem>>)
      %dma_wait3A = arith.constant 0 : i32
      %dma_wait3A_45 = tpu.memref_slice %arg2[%dma_wait3A] : memref<100000xi32, #tpu.memory_space<hbm>> -> memref<100000xi32, #tpu.memory_space<hbm>>
      tpu.wait_indirect_dma semaphore(%arg9 : memref<!tpu.dma_semaphore, #tpu.memory_space<semaphore_mem>>) src(%dma_wait3A_45 : memref<100000xi32, #tpu.memory_space<hbm>>) dst(%arg6 : memref<48xi32, #tpu.memory_space<vmem>>)
      %get3A = arith.constant 0 : index
      %get3A_46 = tpu.vector_load %arg6[%get3A] {strides = array<i32>} : memref<48xi32, #tpu.memory_space<vmem>>, vector<16xi32>,
      %get3A_47 = vector.shape_cast %get3A_46 : vector<16xi32> to vector<16xi32>
      %and3A_48 = arith.constant -8 : i32
      %and3A_49 = vector.broadcast %and3A_48 : i32 to vector<16xi32>
      %and3A_50 = arith.andi %get3A_47, %and3A_49 : vector<16xi32>
      %min3A_51 = arith.constant 240 : i32
      %min3A_52 = vector.broadcast %min3A_51 : i32 to vector<16xi32>
      %min3A_53 = arith.minsi %and3A_50, %min3A_52 : vector<16xi32>
      %swap3A_54 = arith.constant 0 : index
      %swap3A_55 = tpu.vector_load %arg7[%swap3A_54] {strides = array<i32>} : memref<48xi32, #tpu.memory_space<vmem>>, vector<16xi32>,
      %swap3A_56 = vector.shape_cast %swap3A_55 : vector<16xi32> to vector<16xi32>
      %swap3A_57 = vector.shape_cast %min3A_53 : vector<16xi32> to vector<16xi32>
      tpu.vector_store %arg7[%swap3A_54], %swap3A_57 {strides = array<i32>} : memref<48xi32, #tpu.memory_space<vmem>>, vector<16xi32>,
      %get3A_58 = arith.constant 0 : index
      %get3A_59 = tpu.vector_load %arg5[%get3A_58] {strides = array<i32>} : memref<48xi32, #tpu.memory_space<vmem>>, vector<16xi32>,
      %get3A_60 = vector.shape_cast %get3A_59 : vector<16xi32> to vector<16xi32>
      %add3A_61 = arith.constant 2499 : i32
      %add3A_62 = vector.broadcast %add3A_61 : i32 to vector<16xi32>
      %add3A_63 = arith.addi %get3A_60, %add3A_62 : vector<16xi32>
      %swap3A_64 = arith.constant 0 : index
      %swap3A_65 = tpu.vector_load %arg5[%swap3A_64] {strides = array<i32>} : memref<48xi32, #tpu.memory_space<vmem>>, vector<16xi32>,
      %swap3A_66 = vector.shape_cast %swap3A_65 : vector<16xi32> to vector<16xi32>
      %swap3A_67 = vector.shape_cast %add3A_63 : vector<16xi32> to vector<16xi32>
      tpu.vector_store %arg5[%swap3A_64], %swap3A_67 {strides = array<i32>} : memref<48xi32, #tpu.memory_space<vmem>>, vector<16xi32>,
      %get3A_68 = arith.constant 16 : index
      %get3A_69 = tpu.vector_load %arg6[%get3A_68] {strides = array<i32>} : memref<48xi32, #tpu.memory_space<vmem>>, vector<16xi32>,
      %get3A_70 = vector.shape_cast %get3A_69 : vector<16xi32> to vector<16xi32>
      %and3A_71 = arith.constant -8 : i32
      %and3A_72 = vector.broadcast %and3A_71 : i32 to vector<16xi32>
      %and3A_73 = arith.andi %get3A_70, %and3A_72 : vector<16xi32>
      %min3A_74 = arith.constant 240 : i32
      %min3A_75 = vector.broadcast %min3A_74 : i32 to vector<16xi32>
      %min3A_76 = arith.minsi %and3A_73, %min3A_75 : vector<16xi32>
      %swap3A_77 = arith.constant 16 : index
      %swap3A_78 = tpu.vector_load %arg7[%swap3A_77] {strides = array<i32>} : memref<48xi32, #tpu.memory_space<vmem>>, vector<16xi32>,
      %swap3A_79 = vector.shape_cast %swap3A_78 : vector<16xi32> to vector<16xi32>
      %swap3A_80 = vector.shape_cast %min3A_76 : vector<16xi32> to vector<16xi32>
      tpu.vector_store %arg7[%swap3A_77], %swap3A_80 {strides = array<i32>} : memref<48xi32, #tpu.memory_space<vmem>>, vector<16xi32>,
      %get3A_81 = arith.constant 16 : index
      %get3A_82 = tpu.vector_load %arg5[%get3A_81] {strides = array<i32>} : memref<48xi32, #tpu.memory_space<vmem>>, vector<16xi32>,
      %get3A_83 = vector.shape_cast %get3A_82 : vector<16xi32> to vector<16xi32>
      %add3A_84 = arith.constant 2499 : i32
      %add3A_85 = vector.broadcast %add3A_84 : i32 to vector<16xi32>
      %add3A_86 = arith.addi %get3A_83, %add3A_85 : vector<16xi32>
      %swap3A_87 = arith.constant 16 : index
      %swap3A_88 = tpu.vector_load %arg5[%swap3A_87] {strides = array<i32>} : memref<48xi32, #tpu.memory_space<vmem>>, vector<16xi32>,
      %swap3A_89 = vector.shape_cast %swap3A_88 : vector<16xi32> to vector<16xi32>
      %swap3A_90 = vector.shape_cast %add3A_86 : vector<16xi32> to vector<16xi32>
      tpu.vector_store %arg5[%swap3A_87], %swap3A_90 {strides = array<i32>} : memref<48xi32, #tpu.memory_space<vmem>>, vector<16xi32>,
      %get3A_91 = arith.constant 32 : index
      %get3A_92 = tpu.vector_load %arg6[%get3A_91] {strides = array<i32>} : memref<48xi32, #tpu.memory_space<vmem>>, vector<16xi32>,
      %get3A_93 = vector.shape_cast %get3A_92 : vector<16xi32> to vector<16xi32>
      %and3A_94 = arith.constant -8 : i32
      %and3A_95 = vector.broadcast %and3A_94 : i32 to vector<16xi32>
      %and3A_96 = arith.andi %get3A_93, %and3A_95 : vector<16xi32>
      %min3A_97 = arith.constant 240 : i32
      %min3A_98 = vector.broadcast %min3A_97 : i32 to vector<16xi32>
      %min3A_99 = arith.minsi %and3A_96, %min3A_98 : vector<16xi32>
      %swap3A_100 = arith.constant 32 : index
      %swap3A_101 = tpu.vector_load %arg7[%swap3A_100] {strides = array<i32>} : memref<48xi32, #tpu.memory_space<vmem>>, vector<16xi32>,
      %swap3A_102 = vector.shape_cast %swap3A_101 : vector<16xi32> to vector<16xi32>
      %swap3A_103 = vector.shape_cast %min3A_99 : vector<16xi32> to vector<16xi32>
      tpu.vector_store %arg7[%swap3A_100], %swap3A_103 {strides = array<i32>} : memref<48xi32, #tpu.memory_space<vmem>>, vector<16xi32>,
      %get3A_104 = arith.constant 32 : index
      %get3A_105 = tpu.vector_load %arg5[%get3A_104] {strides = array<i32>} : memref<48xi32, #tpu.memory_space<vmem>>, vector<16xi32>,
      %get3A_106 = vector.shape_cast %get3A_105 : vector<16xi32> to vector<16xi32>
      %add3A_107 = arith.constant 2499 : i32
      %add3A_108 = vector.broadcast %add3A_107 : i32 to vector<16xi32>
      %add3A_109 = arith.addi %get3A_106, %add3A_108 : vector<16xi32>
      %swap3A_110 = arith.constant 32 : index
      %swap3A_111 = tpu.vector_load %arg5[%swap3A_110] {strides = array<i32>} : memref<48xi32, #tpu.memory_space<vmem>>, vector<16xi32>,
      %swap3A_112 = vector.shape_cast %swap3A_111 : vector<16xi32> to vector<16xi32>
      %swap3A_113 = vector.shape_cast %add3A_109 : vector<16xi32> to vector<16xi32>
      tpu.vector_store %arg5[%swap3A_110], %swap3A_113 {strides = array<i32>} : memref<48xi32, #tpu.memory_space<vmem>>, vector<16xi32>,
      %dma_start3A_114 = arith.constant 0 : i32
      %dma_start3A_115 = tpu.memref_slice %arg2[%dma_start3A_114] : memref<100000xi32, #tpu.memory_space<hbm>> -> memref<100000xi32, #tpu.memory_space<hbm>>
      tpu.enqueue_indirect_dma source(%dma_start3A_115 : memref<100000xi32, #tpu.memory_space<hbm>>) target(%arg6 : memref<48xi32, #tpu.memory_space<vmem>>) offsets(%arg5 : memref<48xi32, #tpu.memory_space<vmem>>) semaphore(%arg9 : memref<!tpu.dma_semaphore, #tpu.memory_space<semaphore_mem>>)
      %dma_wait3A_116 = arith.constant 0 : i32
      %dma_wait3A_117 = tpu.memref_slice %arg2[%dma_wait3A_116] : memref<100000xi32, #tpu.memory_space<hbm>> -> memref<100000xi32, #tpu.memory_space<hbm>>
      tpu.wait_indirect_dma semaphore(%arg9 : memref<!tpu.dma_semaphore, #tpu.memory_space<semaphore_mem>>) src(%dma_wait3A_117 : memref<100000xi32, #tpu.memory_space<hbm>>) dst(%arg6 : memref<48xi32, #tpu.memory_space<vmem>>)
      %get3A_118 = arith.constant 0 : index
      %get3A_119 = tpu.vector_load %arg6[%get3A_118] {strides = array<i32>} : memref<48xi32, #tpu.memory_space<vmem>>, vector<16xi32>,
      %get3A_120 = vector.shape_cast %get3A_119 : vector<16xi32> to vector<16xi32>
      %get3A_121 = arith.constant 0 : index
      %get3A_122 = tpu.vector_load %arg7[%get3A_121] {strides = array<i32>} : memref<48xi32, #tpu.memory_space<vmem>>, vector<16xi32>,
      %get3A_123 = vector.shape_cast %get3A_122 : vector<16xi32> to vector<16xi32>
      %sub3A = arith.subi %get3A_120, %get3A_123 : vector<16xi32>
      %lt3A = arith.constant 16 : i32
      %lt3A_124 = vector.broadcast %lt3A : i32 to vector<16xi32>
      %lt3A_125 = arith.cmpi slt, %sub3A, %lt3A_124 : vector<16xi32>
      %select_n3A = arith.select %lt3A_125, %broadcast_in_dim3A_0, %broadcast_in_dim3A_2 : vector<16xi1>, vector<16xi32>
      %swap3A_126 = arith.constant 0 : index
      %swap3A_127 = tpu.vector_load %arg8[%swap3A_126] {strides = array<i32>} : memref<48xi32, #tpu.memory_space<vmem>>, vector<16xi32>,
      %swap3A_128 = vector.shape_cast %swap3A_127 : vector<16xi32> to vector<16xi32>
      %swap3A_129 = vector.shape_cast %select_n3A : vector<16xi32> to vector<16xi32>
      tpu.vector_store %arg8[%swap3A_126], %swap3A_129 {strides = array<i32>} : memref<48xi32, #tpu.memory_space<vmem>>, vector<16xi32>,
      %get3A_130 = arith.constant 16 : index
      %get3A_131 = tpu.vector_load %arg6[%get3A_130] {strides = array<i32>} : memref<48xi32, #tpu.memory_space<vmem>>, vector<16xi32>,
      %get3A_132 = vector.shape_cast %get3A_131 : vector<16xi32> to vector<16xi32>
      %get3A_133 = arith.constant 16 : index
      %get3A_134 = tpu.vector_load %arg7[%get3A_133] {strides = array<i32>} : memref<48xi32, #tpu.memory_space<vmem>>, vector<16xi32>,
      %get3A_135 = vector.shape_cast %get3A_134 : vector<16xi32> to vector<16xi32>
      %sub3A_136 = arith.subi %get3A_132, %get3A_135 : vector<16xi32>
      %lt3A_137 = arith.constant 16 : i32
      %lt3A_138 = vector.broadcast %lt3A_137 : i32 to vector<16xi32>
      %lt3A_139 = arith.cmpi slt, %sub3A_136, %lt3A_138 : vector<16xi32>
      %select_n3A_140 = arith.select %lt3A_139, %broadcast_in_dim3A_0, %broadcast_in_dim3A_2 : vector<16xi1>, vector<16xi32>
      %swap3A_141 = arith.constant 16 : index
      %swap3A_142 = tpu.vector_load %arg8[%swap3A_141] {strides = array<i32>} : memref<48xi32, #tpu.memory_space<vmem>>, vector<16xi32>,
      %swap3A_143 = vector.shape_cast %swap3A_142 : vector<16xi32> to vector<16xi32>
      %swap3A_144 = vector.shape_cast %select_n3A_140 : vector<16xi32> to vector<16xi32>
      tpu.vector_store %arg8[%swap3A_141], %swap3A_144 {strides = array<i32>} : memref<48xi32, #tpu.memory_space<vmem>>, vector<16xi32>,
      %get3A_145 = arith.constant 32 : index
      %get3A_146 = tpu.vector_load %arg6[%get3A_145] {strides = array<i32>} : memref<48xi32, #tpu.memory_space<vmem>>, vector<16xi32>,
      %get3A_147 = vector.shape_cast %get3A_146 : vector<16xi32> to vector<16xi32>
      %get3A_148 = arith.constant 32 : index
      %get3A_149 = tpu.vector_load %arg7[%get3A_148] {strides = array<i32>} : memref<48xi32, #tpu.memory_space<vmem>>, vector<16xi32>,
      %get3A_150 = vector.shape_cast %get3A_149 : vector<16xi32> to vector<16xi32>
      %sub3A_151 = arith.subi %get3A_147, %get3A_150 : vector<16xi32>
      %lt3A_152 = arith.constant 16 : i32
      %lt3A_153 = vector.broadcast %lt3A_152 : i32 to vector<16xi32>
      %lt3A_154 = arith.cmpi slt, %sub3A_151, %lt3A_153 : vector<16xi32>
      %select_n3A_155 = arith.select %lt3A_154, %broadcast_in_dim3A_0, %broadcast_in_dim3A_2 : vector<16xi1>, vector<16xi32>
      %swap3A_156 = arith.constant 32 : index
      %swap3A_157 = tpu.vector_load %arg8[%swap3A_156] {strides = array<i32>} : memref<48xi32, #tpu.memory_space<vmem>>, vector<16xi32>,
      %swap3A_158 = vector.shape_cast %swap3A_157 : vector<16xi32> to vector<16xi32>
      %swap3A_159 = vector.shape_cast %select_n3A_155 : vector<16xi32> to vector<16xi32>
      tpu.vector_store %arg8[%swap3A_156], %swap3A_159 {strides = array<i32>} : memref<48xi32, #tpu.memory_space<vmem>>, vector<16xi32>,
      "tpu.region"() ({
        %run_scoped3A = tpu.sem_alloc : memref<!tpu.dma_semaphore, #tpu.memory_space<semaphore_mem>>
        tpu.enqueue_dma source(%arg7 : memref<48xi32, #tpu.memory_space<vmem>>) target(%arg3 : memref<48xi32, #tpu.memory_space<hbm>>) target_semaphore(%run_scoped3A : memref<!tpu.dma_semaphore, #tpu.memory_space<semaphore_mem>>)
        tpu.wait_dma2 semaphore(%run_scoped3A : memref<!tpu.dma_semaphore, #tpu.memory_space<semaphore_mem>>) src(%arg7 : memref<48xi32, #tpu.memory_space<vmem>>) dst(%arg3 : memref<48xi32, #tpu.memory_space<hbm>>)
        tpu.yield
      }) : () -> ()
      "tpu.region"() ({
        %run_scoped3A = tpu.sem_alloc : memref<!tpu.dma_semaphore, #tpu.memory_space<semaphore_mem>>
        tpu.enqueue_dma source(%arg8 : memref<48xi32, #tpu.memory_space<vmem>>) target(%arg4 : memref<48xi32, #tpu.memory_space<hbm>>) target_semaphore(%run_scoped3A : memref<!tpu.dma_semaphore, #tpu.memory_space<semaphore_mem>>)
        tpu.wait_dma2 semaphore(%run_scoped3A : memref<!tpu.dma_semaphore, #tpu.memory_space<semaphore_mem>>) src(%arg8 : memref<48xi32, #tpu.memory_space<vmem>>) dst(%arg4 : memref<48xi32, #tpu.memory_space<hbm>>)
        tpu.yield
      }) : () -> ()
    } else {
    }
    return
  }
}

module attributes {stable_mosaic.version = 14 : i64} {
  func.func @_body(%arg0: i32, %arg1: memref<20xi32, #tpu.memory_space<smem>>, %arg2: memref<5000x128xf32, #tpu.memory_space<vmem>>, %arg3: memref<1x1x5000xf32, #tpu.memory_space<vmem>>, %arg4: memref<1x1x5000xi32, #tpu.memory_space<vmem>>, %arg5: memref<128x1xf32, #tpu.memory_space<vmem>>, %arg6: memref<1x1xf32, #tpu.memory_space<vmem>>, %arg7: memref<128x128xf32, #tpu.memory_space<vmem>>, %arg8: memref<1x128xf32, #tpu.memory_space<vmem>>, %arg9: memref<256x128xf32, #tpu.memory_space<vmem>>, %arg10: memref<256x128xf32, #tpu.memory_space<vmem>>, %arg11: memref<256x1xf32, #tpu.memory_space<vmem>>) attributes {dimension_semantics = [#tpu.dimension_semantics<arbitrary>], iteration_bounds = array<i64: 20>, scalar_prefetch = 1 : i64, scratch_operands = 2 : i64, tpu.core_type = #tpu.core_type<tc>, window_params = [{transform_indices = @transform_0, window_bounds = array<i64: 5000, 128>}, {transform_indices = @transform_1, window_bounds = array<i64: 1, 1, 5000>}, {transform_indices = @transform_2, window_bounds = array<i64: 1, 1, 5000>}, {pipeline_mode = #tpu.pipeline_mode<synchronous>, transform_indices = @transform_3, window_bounds = array<i64: 128, 1>}, {pipeline_mode = #tpu.pipeline_mode<synchronous>, transform_indices = @transform_4, window_bounds = array<i64: 1, 1>}, {pipeline_mode = #tpu.pipeline_mode<synchronous>, transform_indices = @transform_5, window_bounds = array<i64: 128, 128>}, {pipeline_mode = #tpu.pipeline_mode<synchronous>, transform_indices = @transform_6, window_bounds = array<i64: 1, 128>}, {pipeline_mode = #tpu.pipeline_mode<synchronous>, transform_indices = @transform_7, window_bounds = array<i64: 256, 128>}]} {
    %eq3A = arith.constant 0 : i32
    %eq3A_0 = arith.cmpi eq, %arg0, %eq3A : i32
    %convert_element_type3A = arith.extui %eq3A_0 : i1 to i32
    %cond3A = arith.constant 0 : i32
    %cond3A_1 = arith.cmpi ne, %convert_element_type3A, %cond3A : i32
    scf.if %cond3A_1 {
      %broadcast_in_dim3A_51 = arith.constant 0.000000e+00 : f32
      %broadcast_in_dim3A_52 = vector.broadcast %broadcast_in_dim3A_51 : f32 to vector<256x128xf32>
      %swap3A_53 = arith.constant 0 : index
      %swap3A_54 = arith.constant 0 : index
      %swap3A_55 = vector.load %arg10[%swap3A_53, %swap3A_54] : memref<256x128xf32, #tpu.memory_space<vmem>>, vector<256x128xf32>
      tpu.vector_store %arg10[%swap3A_53, %swap3A_54], %broadcast_in_dim3A_52 {strides = array<i32>} : memref<256x128xf32, #tpu.memory_space<vmem>>, vector<256x128xf32>,
      %broadcast_in_dim3A_56 = arith.constant 0.000000e+00 : f32
      %broadcast_in_dim3A_57 = vector.broadcast %broadcast_in_dim3A_56 : f32 to vector<256x1xf32>
      %swap3A_58 = arith.constant 0 : index
      %swap3A_59 = arith.constant 0 : index
      %swap3A_60 = vector.load %arg11[%swap3A_58, %swap3A_59] : memref<256x1xf32, #tpu.memory_space<vmem>>, vector<256x1xf32>
      tpu.vector_store %arg11[%swap3A_58, %swap3A_59], %broadcast_in_dim3A_57 {strides = array<i32>} : memref<256x1xf32, #tpu.memory_space<vmem>>, vector<256x1xf32>,
    } else {
    }
    %get3A = arith.constant 0 : index
    %get3A_2 = arith.constant 0 : index
    %get3A_3 = vector.load %arg2[%get3A, %get3A_2] : memref<5000x128xf32, #tpu.memory_space<vmem>>, vector<5000x128xf32>
    %get3A_4 = arith.constant 0 : index
    %get3A_5 = arith.constant 0 : index
    %get3A_6 = vector.load %arg5[%get3A_4, %get3A_5] : memref<128x1xf32, #tpu.memory_space<vmem>>, vector<128x1xf32>
    %dot_general3A = arith.constant dense<0.000000e+00> : vector<1x5000xf32>
    %dot_general3A_7 = tpu.matmul %get3A_6, %get3A_3, %dot_general3A {dimension_numbers = #tpu.dot_dimension_numbers<[0], [1], [1], [0], [0, 1, 1, 0], [], []>, transpose_lhs_hint = false} : vector<128x1xf32>, vector<5000x128xf32>, vector<1x5000xf32> -> vector<1x5000xf32>
    %get3A_8 = arith.constant 0 : index
    %get3A_9 = arith.constant 0 : index
    %get3A_10 = arith.constant 0 : index
    %get3A_11 = vector.load %arg3[%get3A_8, %get3A_9, %get3A_10] : memref<1x1x5000xf32, #tpu.memory_space<vmem>>, vector<1x1x5000xf32>
    %get3A_12 = vector.shape_cast %get3A_11 : vector<1x1x5000xf32> to vector<1x5000xf32>
    %get3A_13 = arith.constant 0 : index
    %get3A_14 = arith.constant 0 : index
    %get3A_15 = vector.load %arg6[%get3A_13, %get3A_14] : memref<1x1xf32, #tpu.memory_space<vmem>>, vector<1x1xf32>
    %add3A = vector.broadcast %get3A_15 : vector<1x1xf32> to vector<1x5000xf32>
    %add3A_16 = arith.addf %dot_general3A_7, %add3A : vector<1x5000xf32>
    %exp3A = math.exp %add3A_16 : vector<1x5000xf32>
    %mul3A = arith.mulf %get3A_12, %exp3A : vector<1x5000xf32>
    %get3A_17 = arith.constant 0 : index
    %get3A_18 = arith.constant 0 : index
    %get3A_19 = arith.constant 0 : index
    %get3A_20 = vector.load %arg4[%get3A_17, %get3A_18, %get3A_19] : memref<1x1x5000xi32, #tpu.memory_space<vmem>>, vector<1x1x5000xi32>
    %get3A_21 = vector.shape_cast %get3A_20 : vector<1x1x5000xi32> to vector<1x5000xi32>
    %iota3A = tpu.iota {dimensions = array<i32: 0>} : vector<256x5000xi32>
    %add3A_22 = arith.constant 0 : i32
    %add3A_23 = vector.broadcast %add3A_22 : i32 to vector<256x5000xi32>
    %add3A_24 = arith.addi %iota3A, %add3A_23 : vector<256x5000xi32>
    %eq3A_25 = vector.broadcast %get3A_21 : vector<1x5000xi32> to vector<256x5000xi32>
    %eq3A_26 = arith.cmpi eq, %add3A_24, %eq3A_25 : vector<256x5000xi32>
    %jit3A = arith.constant 0.000000e+00 : f32
    %broadcast_in_dim3A = vector.shape_cast %mul3A : vector<1x5000xf32> to vector<1x5000xf32>
    %broadcast_in_dim3A_27 = vector.broadcast %broadcast_in_dim3A : vector<1x5000xf32> to vector<256x5000xf32>
    %broadcast_in_dim3A_28 = vector.broadcast %jit3A : f32 to vector<256x5000xf32>
    %select_n3A = arith.select %eq3A_26, %broadcast_in_dim3A_27, %broadcast_in_dim3A_28 : vector<256x5000xi1>, vector<256x5000xf32>
    %dot_general3A_29 = arith.constant dense<0.000000e+00> : vector<256x128xf32>
    %dot_general3A_30 = tpu.matmul %select_n3A, %get3A_3, %dot_general3A_29 {dimension_numbers = #tpu.dot_dimension_numbers<[1], [0], [0], [1], [0, 0, 1, 1], [], []>, transpose_lhs_hint = false} : vector<256x5000xf32>, vector<5000x128xf32>, vector<256x128xf32> -> vector<256x128xf32>
    %get3A_31 = arith.constant 0 : index
    %get3A_32 = arith.constant 0 : index
    %get3A_33 = vector.load %arg10[%get3A_31, %get3A_32] : memref<256x128xf32, #tpu.memory_space<vmem>>, vector<256x128xf32>
    %add3A_34 = arith.addf %get3A_33, %dot_general3A_30 : vector<256x128xf32>
    %swap3A = arith.constant 0 : index
    %swap3A_35 = arith.constant 0 : index
    %swap3A_36 = vector.load %arg10[%swap3A, %swap3A_35] : memref<256x128xf32, #tpu.memory_space<vmem>>, vector<256x128xf32>
    tpu.vector_store %arg10[%swap3A, %swap3A_35], %add3A_34 {strides = array<i32>} : memref<256x128xf32, #tpu.memory_space<vmem>>, vector<256x128xf32>,
    %get3A_37 = arith.constant 0 : index
    %get3A_38 = arith.constant 0 : index
    %get3A_39 = vector.load %arg11[%get3A_37, %get3A_38] : memref<256x1xf32, #tpu.memory_space<vmem>>, vector<256x1xf32>
    %reduce_sum3A = arith.constant dense<0.000000e+00> : vector<256xf32>
    %reduce_sum3A_40 = vector.multi_reduction <add>, %select_n3A, %reduce_sum3A [1] : vector<256x5000xf32> to vector<256xf32>
    %broadcast_in_dim3A_41 = vector.shape_cast %reduce_sum3A_40 : vector<256xf32> to vector<256x1xf32>
    %add3A_42 = arith.addf %get3A_39, %broadcast_in_dim3A_41 : vector<256x1xf32>
    %swap3A_43 = arith.constant 0 : index
    %swap3A_44 = arith.constant 0 : index
    %swap3A_45 = vector.load %arg11[%swap3A_43, %swap3A_44] : memref<256x1xf32, #tpu.memory_space<vmem>>, vector<256x1xf32>
    tpu.vector_store %arg11[%swap3A_43, %swap3A_44], %add3A_42 {strides = array<i32>} : memref<256x1xf32, #tpu.memory_space<vmem>>, vector<256x1xf32>,
    %eq3A_46 = arith.constant 19 : i32
    %eq3A_47 = arith.cmpi eq, %arg0, %eq3A_46 : i32
    %convert_element_type3A_48 = arith.extui %eq3A_47 : i1 to i32
    %cond3A_49 = arith.constant 0 : i32
    %cond3A_50 = arith.cmpi ne, %convert_element_type3A_48, %cond3A_49 : i32
    scf.if %cond3A_50 {
      %get3A_51 = arith.constant 0 : index
      %get3A_52 = arith.constant 0 : index
      %get3A_53 = vector.load %arg11[%get3A_51, %get3A_52] : memref<256x1xf32, #tpu.memory_space<vmem>>, vector<256x1xf32>
      %eq3A_54 = arith.constant 0.000000e+00 : f32
      %eq3A_55 = vector.broadcast %eq3A_54 : f32 to vector<256x1xf32>
      %eq3A_56 = arith.cmpf oeq, %get3A_53, %eq3A_55 : vector<256x1xf32>
      %jit3A_57 = arith.constant 1.000000e+00 : f32
      %broadcast_in_dim3A_58 = vector.broadcast %jit3A_57 : f32 to vector<256x1xf32>
      %select_n3A_59 = arith.select %eq3A_56, %broadcast_in_dim3A_58, %get3A_53 : vector<256x1xi1>, vector<256x1xf32>
      %get3A_60 = arith.constant 0 : index
      %get3A_61 = arith.constant 0 : index
      %get3A_62 = vector.load %arg10[%get3A_60, %get3A_61] : memref<256x128xf32, #tpu.memory_space<vmem>>, vector<256x128xf32>
      %get3A_63 = arith.constant 0 : index
      %get3A_64 = arith.constant 0 : index
      %get3A_65 = vector.load %arg7[%get3A_63, %get3A_64] : memref<128x128xf32, #tpu.memory_space<vmem>>, vector<128x128xf32>
      %dot_general3A_66 = arith.constant dense<0.000000e+00> : vector<256x128xf32>
      %dot_general3A_67 = tpu.matmul %get3A_62, %get3A_65, %dot_general3A_66 {dimension_numbers = #tpu.dot_dimension_numbers<[1], [0], [0], [1], [0, 0, 1, 1], [], []>, transpose_lhs_hint = false} : vector<256x128xf32>, vector<128x128xf32>, vector<256x128xf32> -> vector<256x128xf32>
      %div3A = vector.broadcast %select_n3A_59 : vector<256x1xf32> to vector<256x128xf32>
      %div3A_68 = arith.divf %dot_general3A_67, %div3A : vector<256x128xf32>
      %get3A_69 = arith.constant 0 : index
      %get3A_70 = arith.constant 0 : index
      %get3A_71 = vector.load %arg8[%get3A_69, %get3A_70] : memref<1x128xf32, #tpu.memory_space<vmem>>, vector<1x128xf32>
      %add3A_72 = vector.broadcast %get3A_71 : vector<1x128xf32> to vector<256x128xf32>
      %add3A_73 = arith.addf %div3A_68, %add3A_72 : vector<256x128xf32>
      %swap3A_74 = arith.constant 0 : index
      %swap3A_75 = arith.constant 0 : index
      %swap3A_76 = vector.load %arg9[%swap3A_74, %swap3A_75] : memref<256x128xf32, #tpu.memory_space<vmem>>, vector<256x128xf32>
      tpu.vector_store %arg9[%swap3A_74, %swap3A_75], %add3A_73 {strides = array<i32>} : memref<256x128xf32, #tpu.memory_space<vmem>>, vector<256x128xf32>,
    } else {
    }
    return
  }
  func.func @transform_0(%arg0: i32, %arg1: memref<20xi32, #tpu.memory_space<smem>>) -> (i32, i32) {
    %c0_i32 = arith.constant 0 : i32
    %c0_i32_0 = arith.constant 0 : i32
    return %arg0, %c0_i32 : i32, i32
  }
  func.func @transform_1(%arg0: i32, %arg1: memref<20xi32, #tpu.memory_space<smem>>) -> (i32, i32, i32) {
    %c0_i32 = arith.constant 0 : i32
    %c0_i32_0 = arith.constant 0 : i32
    %c0_i32_1 = arith.constant 0 : i32
    return %arg0, %c0_i32, %c0_i32_0 : i32, i32, i32
  }
  func.func @transform_2(%arg0: i32, %arg1: memref<20xi32, #tpu.memory_space<smem>>) -> (i32, i32, i32) {
    %c0_i32 = arith.constant 0 : i32
    %c0_i32_0 = arith.constant 0 : i32
    %c0_i32_1 = arith.constant 0 : i32
    return %arg0, %c0_i32, %c0_i32_0 : i32, i32, i32
  }
  func.func @transform_3(%arg0: i32, %arg1: memref<20xi32, #tpu.memory_space<smem>>) -> (i32, i32) {
    %c0_i32 = arith.constant 0 : i32
    %c0_i32_0 = arith.constant 0 : i32
    %c0_i32_1 = arith.constant 0 : i32
    return %c0_i32, %c0_i32_0 : i32, i32
  }
  func.func @transform_4(%arg0: i32, %arg1: memref<20xi32, #tpu.memory_space<smem>>) -> (i32, i32) {
    %c0_i32 = arith.constant 0 : i32
    %c0_i32_0 = arith.constant 0 : i32
    %c0_i32_1 = arith.constant 0 : i32
    return %c0_i32, %c0_i32_0 : i32, i32
  }
  func.func @transform_5(%arg0: i32, %arg1: memref<20xi32, #tpu.memory_space<smem>>) -> (i32, i32) {
    %c0_i32 = arith.constant 0 : i32
    %c0_i32_0 = arith.constant 0 : i32
    %c0_i32_1 = arith.constant 0 : i32
    return %c0_i32, %c0_i32_0 : i32, i32
  }
  func.func @transform_6(%arg0: i32, %arg1: memref<20xi32, #tpu.memory_space<smem>>) -> (i32, i32) {
    %c0_i32 = arith.constant 0 : i32
    %c0_i32_0 = arith.constant 0 : i32
    %c0_i32_1 = arith.constant 0 : i32
    return %c0_i32, %c0_i32_0 : i32, i32
  }
  func.func @transform_7(%arg0: i32, %arg1: memref<20xi32, #tpu.memory_space<smem>>) -> (i32, i32) {
    %c0_i32 = arith.constant 0 : i32
    %c0_i32_0 = arith.constant 0 : i32
    %c0_i32_1 = arith.constant 0 : i32
    return %c0_i32, %c0_i32_0 : i32, i32
  }
}

module attributes {stable_mosaic.version = 14 : i64} {
  func.func @_fast_body(%arg0: i32, %arg1: memref<40xi32, #tpu.memory_space<smem>>, %arg2: memref<25000x128xf32, #tpu.memory_space<vmem>>, %arg3: memref<1x1x25000xf32, #tpu.memory_space<vmem>>, %arg4: memref<1x1x25000xi32, #tpu.memory_space<vmem>>, %arg5: memref<128x1xf32, #tpu.memory_space<vmem>>, %arg6: memref<1x1xf32, #tpu.memory_space<vmem>>, %arg7: memref<128x128xf32, #tpu.memory_space<vmem>>, %arg8: memref<1x128xf32, #tpu.memory_space<vmem>>, %arg9: memref<256x128xf32, #tpu.memory_space<vmem>>, %arg10: memref<256x128xf32, #tpu.memory_space<vmem>>, %arg11: memref<256x1xf32, #tpu.memory_space<vmem>>) attributes {dimension_semantics = [#tpu.dimension_semantics<arbitrary>], iteration_bounds = array<i64: 4>, scalar_prefetch = 1 : i64, scratch_operands = 2 : i64, tpu.core_type = #tpu.core_type<tc>, window_params = [{transform_indices = @transform_0, window_bounds = array<i64: 25000, 128>}, {transform_indices = @transform_1, window_bounds = array<i64: 1, 1, 25000>}, {transform_indices = @transform_2, window_bounds = array<i64: 1, 1, 25000>}, {pipeline_mode = #tpu.pipeline_mode<synchronous>, transform_indices = @transform_3, window_bounds = array<i64: 128, 1>}, {pipeline_mode = #tpu.pipeline_mode<synchronous>, transform_indices = @transform_4, window_bounds = array<i64: 1, 1>}, {pipeline_mode = #tpu.pipeline_mode<synchronous>, transform_indices = @transform_5, window_bounds = array<i64: 128, 128>}, {pipeline_mode = #tpu.pipeline_mode<synchronous>, transform_indices = @transform_6, window_bounds = array<i64: 1, 128>}, {pipeline_mode = #tpu.pipeline_mode<synchronous>, transform_indices = @transform_7, window_bounds = array<i64: 256, 128>}]} {
    %eq3A = arith.constant 0 : i32
    %eq3A_0 = arith.cmpi eq, %arg0, %eq3A : i32
    %convert_element_type3A = arith.extui %eq3A_0 : i1 to i32
    %cond3A = arith.constant 0 : i32
    %cond3A_1 = arith.cmpi ne, %convert_element_type3A, %cond3A : i32
    scf.if %cond3A_1 {
      %broadcast_in_dim3A_460 = arith.constant 0.000000e+00 : f32
      %broadcast_in_dim3A_461 = vector.broadcast %broadcast_in_dim3A_460 : f32 to vector<256x128xf32>
      %swap3A_462 = arith.constant 0 : index
      %swap3A_463 = arith.constant 0 : index
      %swap3A_464 = vector.load %arg10[%swap3A_462, %swap3A_463] : memref<256x128xf32, #tpu.memory_space<vmem>>, vector<256x128xf32>
      tpu.vector_store %arg10[%swap3A_462, %swap3A_463], %broadcast_in_dim3A_461 {strides = array<i32>} : memref<256x128xf32, #tpu.memory_space<vmem>>, vector<256x128xf32>,
      %broadcast_in_dim3A_465 = arith.constant 0.000000e+00 : f32
      %broadcast_in_dim3A_466 = vector.broadcast %broadcast_in_dim3A_465 : f32 to vector<256x1xf32>
      %swap3A_467 = arith.constant 0 : index
      %swap3A_468 = arith.constant 0 : index
      %swap3A_469 = vector.load %arg11[%swap3A_467, %swap3A_468] : memref<256x1xf32, #tpu.memory_space<vmem>>, vector<256x1xf32>
      tpu.vector_store %arg11[%swap3A_467, %swap3A_468], %broadcast_in_dim3A_466 {strides = array<i32>} : memref<256x1xf32, #tpu.memory_space<vmem>>, vector<256x1xf32>,
    } else {
    }
    %get3A = arith.constant 0 : index
    %get3A_2 = arith.constant 0 : index
    %get3A_3 = vector.load %arg5[%get3A, %get3A_2] : memref<128x1xf32, #tpu.memory_space<vmem>>, vector<128x1xf32>
    %convert_element_type3A_4 = arith.truncf %get3A_3 : vector<128x1xf32> to vector<128x1xbf16>
    %get3A_5 = arith.constant 0 : index
    %get3A_6 = arith.constant 0 : index
    %get3A_7 = vector.load %arg2[%get3A_5, %get3A_6] : memref<25000x128xf32, #tpu.memory_space<vmem>>, vector<25000x128xf32>
    %convert_element_type3A_8 = arith.truncf %get3A_7 : vector<25000x128xf32> to vector<25000x128xbf16>
    %dot_general3A = arith.constant dense<0.000000e+00> : vector<1x25000xf32>
    %dot_general3A_9 = tpu.matmul %convert_element_type3A_4, %convert_element_type3A_8, %dot_general3A {dimension_numbers = #tpu.dot_dimension_numbers<[0], [1], [1], [0], [0, 1, 1, 0], [], []>, transpose_lhs_hint = false} : vector<128x1xbf16>, vector<25000x128xbf16>, vector<1x25000xf32> -> vector<1x25000xf32>
    %get3A_10 = arith.constant 0 : index
    %get3A_11 = arith.constant 0 : index
    %get3A_12 = arith.constant 0 : index
    %get3A_13 = vector.load %arg3[%get3A_10, %get3A_11, %get3A_12] : memref<1x1x25000xf32, #tpu.memory_space<vmem>>, vector<1x1x25000xf32>
    %get3A_14 = vector.shape_cast %get3A_13 : vector<1x1x25000xf32> to vector<1x25000xf32>
    %get3A_15 = arith.constant 0 : index
    %get3A_16 = arith.constant 0 : index
    %get3A_17 = vector.load %arg6[%get3A_15, %get3A_16] : memref<1x1xf32, #tpu.memory_space<vmem>>, vector<1x1xf32>
    %add3A = vector.broadcast %get3A_17 : vector<1x1xf32> to vector<1x25000xf32>
    %add3A_18 = arith.addf %dot_general3A_9, %add3A : vector<1x25000xf32>
    %exp3A = math.exp %add3A_18 : vector<1x25000xf32>
    %mul3A = arith.mulf %get3A_14, %exp3A : vector<1x25000xf32>
    %broadcast_in_dim3A = arith.constant 1.000000e+00 : bf16
    %broadcast_in_dim3A_19 = vector.broadcast %broadcast_in_dim3A : bf16 to vector<2500x1xbf16>
    %get3A_20 = arith.constant 0 : index
    %get3A_21 = arith.constant 0 : index
    %get3A_22 = vector.load %arg2[%get3A_20, %get3A_21] : memref<25000x128xf32, #tpu.memory_space<vmem>>, vector<2500x128xf32>
    %slice3A = vector.extract_strided_slice %mul3A {offsets = [0, 0], sizes = [1, 2500], strides = [1, 1]} : vector<1x25000xf32> to vector<1x2500xf32>
    %get3A_23 = arith.constant 0 : index
    %get3A_24 = arith.constant 0 : index
    %get3A_25 = arith.constant 0 : index
    %get3A_26 = vector.load %arg4[%get3A_23, %get3A_24, %get3A_25] : memref<1x1x25000xi32, #tpu.memory_space<vmem>>, vector<1x1x2500xi32>
    %get3A_27 = vector.shape_cast %get3A_26 : vector<1x1x2500xi32> to vector<1x2500xi32>
    %mul3A_28 = arith.constant 10 : i32
    %mul3A_29 = arith.muli %arg0, %mul3A_28 : i32
    %add3A_30 = arith.constant 0 : i32
    %add3A_31 = arith.addi %mul3A_29, %add3A_30 : i32
    %get3A_32 = arith.index_cast %add3A_31 : i32 to index
    %get3A_33 = memref.load %arg1[%get3A_32] : memref<40xi32, #tpu.memory_space<smem>>
    %iota3A = tpu.iota {dimensions = array<i32: 0>} : vector<16x2500xi32>
    %add3A_34 = vector.broadcast %get3A_33 : i32 to vector<16x2500xi32>
    %add3A_35 = arith.addi %iota3A, %add3A_34 : vector<16x2500xi32>
    %eq3A_36 = vector.broadcast %get3A_27 : vector<1x2500xi32> to vector<16x2500xi32>
    %eq3A_37 = arith.cmpi eq, %add3A_35, %eq3A_36 : vector<16x2500xi32>
    %jit3A = arith.constant 0.000000e+00 : f32
    %broadcast_in_dim3A_38 = vector.shape_cast %slice3A : vector<1x2500xf32> to vector<1x2500xf32>
    %broadcast_in_dim3A_39 = vector.broadcast %broadcast_in_dim3A_38 : vector<1x2500xf32> to vector<16x2500xf32>
    %broadcast_in_dim3A_40 = vector.broadcast %jit3A : f32 to vector<16x2500xf32>
    %select_n3A = arith.select %eq3A_37, %broadcast_in_dim3A_39, %broadcast_in_dim3A_40 : vector<16x2500xi1>, vector<16x2500xf32>
    %dot_general3A_41 = arith.constant dense<0.000000e+00> : vector<16x128xf32>
    %dot_general3A_42 = tpu.matmul %select_n3A, %get3A_22, %dot_general3A_41 {dimension_numbers = #tpu.dot_dimension_numbers<[1], [0], [0], [1], [0, 0, 1, 1], [], []>, transpose_lhs_hint = false} : vector<16x2500xf32>, vector<2500x128xf32>, vector<16x128xf32> -> vector<16x128xf32>
    %get3A_43 = arith.index_cast %get3A_33 : i32 to index
    %get3A_44 = arith.constant 0 : index
    %get3A_45 = vector.load %arg10[%get3A_43, %get3A_44] : memref<256x128xf32, #tpu.memory_space<vmem>>, vector<16x128xf32>
    %add3A_46 = arith.addf %get3A_45, %dot_general3A_42 : vector<16x128xf32>
    %swap3A = arith.index_cast %get3A_33 : i32 to index
    %swap3A_47 = arith.constant 0 : index
    %swap3A_48 = vector.load %arg10[%swap3A, %swap3A_47] : memref<256x128xf32, #tpu.memory_space<vmem>>, vector<16x128xf32>
    tpu.vector_store %arg10[%swap3A, %swap3A_47], %add3A_46 {strides = array<i32>} : memref<256x128xf32, #tpu.memory_space<vmem>>, vector<16x128xf32>,
    %get3A_49 = arith.index_cast %get3A_33 : i32 to index
    %get3A_50 = arith.constant 0 : index
    %get3A_51 = vector.load %arg11[%get3A_49, %get3A_50] : memref<256x1xf32, #tpu.memory_space<vmem>>, vector<16x1xf32>
    %convert_element_type3A_52 = arith.truncf %select_n3A : vector<16x2500xf32> to vector<16x2500xbf16>
    %dot_general3A_53 = arith.constant dense<0.000000e+00> : vector<16x1xf32>
    %dot_general3A_54 = tpu.matmul %convert_element_type3A_52, %broadcast_in_dim3A_19, %dot_general3A_53 {dimension_numbers = #tpu.dot_dimension_numbers<[1], [0], [0], [1], [0, 0, 1, 1], [], []>, transpose_lhs_hint = false} : vector<16x2500xbf16>, vector<2500x1xbf16>, vector<16x1xf32> -> vector<16x1xf32>
    %add3A_55 = arith.addf %get3A_51, %dot_general3A_54 : vector<16x1xf32>
    %swap3A_56 = arith.index_cast %get3A_33 : i32 to index
    %swap3A_57 = arith.constant 0 : index
    %swap3A_58 = vector.load %arg11[%swap3A_56, %swap3A_57] : memref<256x1xf32, #tpu.memory_space<vmem>>, vector<16x1xf32>
    tpu.vector_store %arg11[%swap3A_56, %swap3A_57], %add3A_55 {strides = array<i32>} : memref<256x1xf32, #tpu.memory_space<vmem>>, vector<16x1xf32>,
    %get3A_59 = arith.constant 2500 : index
    %get3A_60 = arith.constant 0 : index
    %get3A_61 = vector.load %arg2[%get3A_59, %get3A_60] : memref<25000x128xf32, #tpu.memory_space<vmem>>, vector<2500x128xf32>
    %slice3A_62 = vector.extract_strided_slice %mul3A {offsets = [0, 2500], sizes = [1, 2500], strides = [1, 1]} : vector<1x25000xf32> to vector<1x2500xf32>
    %get3A_63 = arith.constant 0 : index
    %get3A_64 = arith.constant 0 : index
    %get3A_65 = arith.constant 2500 : index
    %get3A_66 = vector.load %arg4[%get3A_63, %get3A_64, %get3A_65] : memref<1x1x25000xi32, #tpu.memory_space<vmem>>, vector<1x1x2500xi32>
    %get3A_67 = vector.shape_cast %get3A_66 : vector<1x1x2500xi32> to vector<1x2500xi32>
    %mul3A_68 = arith.constant 10 : i32
    %mul3A_69 = arith.muli %arg0, %mul3A_68 : i32
    %add3A_70 = arith.constant 1 : i32
    %add3A_71 = arith.addi %mul3A_69, %add3A_70 : i32
    %get3A_72 = arith.index_cast %add3A_71 : i32 to index
    %get3A_73 = memref.load %arg1[%get3A_72] : memref<40xi32, #tpu.memory_space<smem>>
    %iota3A_74 = tpu.iota {dimensions = array<i32: 0>} : vector<16x2500xi32>
    %add3A_75 = vector.broadcast %get3A_73 : i32 to vector<16x2500xi32>
    %add3A_76 = arith.addi %iota3A_74, %add3A_75 : vector<16x2500xi32>
    %eq3A_77 = vector.broadcast %get3A_67 : vector<1x2500xi32> to vector<16x2500xi32>
    %eq3A_78 = arith.cmpi eq, %add3A_76, %eq3A_77 : vector<16x2500xi32>
    %jit3A_79 = arith.constant 0.000000e+00 : f32
    %broadcast_in_dim3A_80 = vector.shape_cast %slice3A_62 : vector<1x2500xf32> to vector<1x2500xf32>
    %broadcast_in_dim3A_81 = vector.broadcast %broadcast_in_dim3A_80 : vector<1x2500xf32> to vector<16x2500xf32>
    %broadcast_in_dim3A_82 = vector.broadcast %jit3A_79 : f32 to vector<16x2500xf32>
    %select_n3A_83 = arith.select %eq3A_78, %broadcast_in_dim3A_81, %broadcast_in_dim3A_82 : vector<16x2500xi1>, vector<16x2500xf32>
    %dot_general3A_84 = arith.constant dense<0.000000e+00> : vector<16x128xf32>
    %dot_general3A_85 = tpu.matmul %select_n3A_83, %get3A_61, %dot_general3A_84 {dimension_numbers = #tpu.dot_dimension_numbers<[1], [0], [0], [1], [0, 0, 1, 1], [], []>, transpose_lhs_hint = false} : vector<16x2500xf32>, vector<2500x128xf32>, vector<16x128xf32> -> vector<16x128xf32>
    %get3A_86 = arith.index_cast %get3A_73 : i32 to index
    %get3A_87 = arith.constant 0 : index
    %get3A_88 = vector.load %arg10[%get3A_86, %get3A_87] : memref<256x128xf32, #tpu.memory_space<vmem>>, vector<16x128xf32>
    %add3A_89 = arith.addf %get3A_88, %dot_general3A_85 : vector<16x128xf32>
    %swap3A_90 = arith.index_cast %get3A_73 : i32 to index
    %swap3A_91 = arith.constant 0 : index
    %swap3A_92 = vector.load %arg10[%swap3A_90, %swap3A_91] : memref<256x128xf32, #tpu.memory_space<vmem>>, vector<16x128xf32>
    tpu.vector_store %arg10[%swap3A_90, %swap3A_91], %add3A_89 {strides = array<i32>} : memref<256x128xf32, #tpu.memory_space<vmem>>, vector<16x128xf32>,
    %get3A_93 = arith.index_cast %get3A_73 : i32 to index
    %get3A_94 = arith.constant 0 : index
    %get3A_95 = vector.load %arg11[%get3A_93, %get3A_94] : memref<256x1xf32, #tpu.memory_space<vmem>>, vector<16x1xf32>
    %convert_element_type3A_96 = arith.truncf %select_n3A_83 : vector<16x2500xf32> to vector<16x2500xbf16>
    %dot_general3A_97 = arith.constant dense<0.000000e+00> : vector<16x1xf32>
    %dot_general3A_98 = tpu.matmul %convert_element_type3A_96, %broadcast_in_dim3A_19, %dot_general3A_97 {dimension_numbers = #tpu.dot_dimension_numbers<[1], [0], [0], [1], [0, 0, 1, 1], [], []>, transpose_lhs_hint = false} : vector<16x2500xbf16>, vector<2500x1xbf16>, vector<16x1xf32> -> vector<16x1xf32>
    %add3A_99 = arith.addf %get3A_95, %dot_general3A_98 : vector<16x1xf32>
    %swap3A_100 = arith.index_cast %get3A_73 : i32 to index
    %swap3A_101 = arith.constant 0 : index
    %swap3A_102 = vector.load %arg11[%swap3A_100, %swap3A_101] : memref<256x1xf32, #tpu.memory_space<vmem>>, vector<16x1xf32>
    tpu.vector_store %arg11[%swap3A_100, %swap3A_101], %add3A_99 {strides = array<i32>} : memref<256x1xf32, #tpu.memory_space<vmem>>, vector<16x1xf32>,
    %get3A_103 = arith.constant 5000 : index
    %get3A_104 = arith.constant 0 : index
    %get3A_105 = vector.load %arg2[%get3A_103, %get3A_104] : memref<25000x128xf32, #tpu.memory_space<vmem>>, vector<2500x128xf32>
    %slice3A_106 = vector.extract_strided_slice %mul3A {offsets = [0, 5000], sizes = [1, 2500], strides = [1, 1]} : vector<1x25000xf32> to vector<1x2500xf32>
    %get3A_107 = arith.constant 0 : index
    %get3A_108 = arith.constant 0 : index
    %get3A_109 = arith.constant 5000 : index
    %get3A_110 = vector.load %arg4[%get3A_107, %get3A_108, %get3A_109] : memref<1x1x25000xi32, #tpu.memory_space<vmem>>, vector<1x1x2500xi32>
    %get3A_111 = vector.shape_cast %get3A_110 : vector<1x1x2500xi32> to vector<1x2500xi32>
    %mul3A_112 = arith.constant 10 : i32
    %mul3A_113 = arith.muli %arg0, %mul3A_112 : i32
    %add3A_114 = arith.constant 2 : i32
    %add3A_115 = arith.addi %mul3A_113, %add3A_114 : i32
    %get3A_116 = arith.index_cast %add3A_115 : i32 to index
    %get3A_117 = memref.load %arg1[%get3A_116] : memref<40xi32, #tpu.memory_space<smem>>
    %iota3A_118 = tpu.iota {dimensions = array<i32: 0>} : vector<16x2500xi32>
    %add3A_119 = vector.broadcast %get3A_117 : i32 to vector<16x2500xi32>
    %add3A_120 = arith.addi %iota3A_118, %add3A_119 : vector<16x2500xi32>
    %eq3A_121 = vector.broadcast %get3A_111 : vector<1x2500xi32> to vector<16x2500xi32>
    %eq3A_122 = arith.cmpi eq, %add3A_120, %eq3A_121 : vector<16x2500xi32>
    %jit3A_123 = arith.constant 0.000000e+00 : f32
    %broadcast_in_dim3A_124 = vector.shape_cast %slice3A_106 : vector<1x2500xf32> to vector<1x2500xf32>
    %broadcast_in_dim3A_125 = vector.broadcast %broadcast_in_dim3A_124 : vector<1x2500xf32> to vector<16x2500xf32>
    %broadcast_in_dim3A_126 = vector.broadcast %jit3A_123 : f32 to vector<16x2500xf32>
    %select_n3A_127 = arith.select %eq3A_122, %broadcast_in_dim3A_125, %broadcast_in_dim3A_126 : vector<16x2500xi1>, vector<16x2500xf32>
    %dot_general3A_128 = arith.constant dense<0.000000e+00> : vector<16x128xf32>
    %dot_general3A_129 = tpu.matmul %select_n3A_127, %get3A_105, %dot_general3A_128 {dimension_numbers = #tpu.dot_dimension_numbers<[1], [0], [0], [1], [0, 0, 1, 1], [], []>, transpose_lhs_hint = false} : vector<16x2500xf32>, vector<2500x128xf32>, vector<16x128xf32> -> vector<16x128xf32>
    %get3A_130 = arith.index_cast %get3A_117 : i32 to index
    %get3A_131 = arith.constant 0 : index
    %get3A_132 = vector.load %arg10[%get3A_130, %get3A_131] : memref<256x128xf32, #tpu.memory_space<vmem>>, vector<16x128xf32>
    %add3A_133 = arith.addf %get3A_132, %dot_general3A_129 : vector<16x128xf32>
    %swap3A_134 = arith.index_cast %get3A_117 : i32 to index
    %swap3A_135 = arith.constant 0 : index
    %swap3A_136 = vector.load %arg10[%swap3A_134, %swap3A_135] : memref<256x128xf32, #tpu.memory_space<vmem>>, vector<16x128xf32>
    tpu.vector_store %arg10[%swap3A_134, %swap3A_135], %add3A_133 {strides = array<i32>} : memref<256x128xf32, #tpu.memory_space<vmem>>, vector<16x128xf32>,
    %get3A_137 = arith.index_cast %get3A_117 : i32 to index
    %get3A_138 = arith.constant 0 : index
    %get3A_139 = vector.load %arg11[%get3A_137, %get3A_138] : memref<256x1xf32, #tpu.memory_space<vmem>>, vector<16x1xf32>
    %convert_element_type3A_140 = arith.truncf %select_n3A_127 : vector<16x2500xf32> to vector<16x2500xbf16>
    %dot_general3A_141 = arith.constant dense<0.000000e+00> : vector<16x1xf32>
    %dot_general3A_142 = tpu.matmul %convert_element_type3A_140, %broadcast_in_dim3A_19, %dot_general3A_141 {dimension_numbers = #tpu.dot_dimension_numbers<[1], [0], [0], [1], [0, 0, 1, 1], [], []>, transpose_lhs_hint = false} : vector<16x2500xbf16>, vector<2500x1xbf16>, vector<16x1xf32> -> vector<16x1xf32>
    %add3A_143 = arith.addf %get3A_139, %dot_general3A_142 : vector<16x1xf32>
    %swap3A_144 = arith.index_cast %get3A_117 : i32 to index
    %swap3A_145 = arith.constant 0 : index
    %swap3A_146 = vector.load %arg11[%swap3A_144, %swap3A_145] : memref<256x1xf32, #tpu.memory_space<vmem>>, vector<16x1xf32>
    tpu.vector_store %arg11[%swap3A_144, %swap3A_145], %add3A_143 {strides = array<i32>} : memref<256x1xf32, #tpu.memory_space<vmem>>, vector<16x1xf32>,
    %get3A_147 = arith.constant 7500 : index
    %get3A_148 = arith.constant 0 : index
    %get3A_149 = vector.load %arg2[%get3A_147, %get3A_148] : memref<25000x128xf32, #tpu.memory_space<vmem>>, vector<2500x128xf32>
    %slice3A_150 = vector.extract_strided_slice %mul3A {offsets = [0, 7500], sizes = [1, 2500], strides = [1, 1]} : vector<1x25000xf32> to vector<1x2500xf32>
    %get3A_151 = arith.constant 0 : index
    %get3A_152 = arith.constant 0 : index
    %get3A_153 = arith.constant 7500 : index
    %get3A_154 = vector.load %arg4[%get3A_151, %get3A_152, %get3A_153] : memref<1x1x25000xi32, #tpu.memory_space<vmem>>, vector<1x1x2500xi32>
    %get3A_155 = vector.shape_cast %get3A_154 : vector<1x1x2500xi32> to vector<1x2500xi32>
    %mul3A_156 = arith.constant 10 : i32
    %mul3A_157 = arith.muli %arg0, %mul3A_156 : i32
    %add3A_158 = arith.constant 3 : i32
    %add3A_159 = arith.addi %mul3A_157, %add3A_158 : i32
    %get3A_160 = arith.index_cast %add3A_159 : i32 to index
    %get3A_161 = memref.load %arg1[%get3A_160] : memref<40xi32, #tpu.memory_space<smem>>
    %iota3A_162 = tpu.iota {dimensions = array<i32: 0>} : vector<16x2500xi32>
    %add3A_163 = vector.broadcast %get3A_161 : i32 to vector<16x2500xi32>
    %add3A_164 = arith.addi %iota3A_162, %add3A_163 : vector<16x2500xi32>
    %eq3A_165 = vector.broadcast %get3A_155 : vector<1x2500xi32> to vector<16x2500xi32>
    %eq3A_166 = arith.cmpi eq, %add3A_164, %eq3A_165 : vector<16x2500xi32>
    %jit3A_167 = arith.constant 0.000000e+00 : f32
    %broadcast_in_dim3A_168 = vector.shape_cast %slice3A_150 : vector<1x2500xf32> to vector<1x2500xf32>
    %broadcast_in_dim3A_169 = vector.broadcast %broadcast_in_dim3A_168 : vector<1x2500xf32> to vector<16x2500xf32>
    %broadcast_in_dim3A_170 = vector.broadcast %jit3A_167 : f32 to vector<16x2500xf32>
    %select_n3A_171 = arith.select %eq3A_166, %broadcast_in_dim3A_169, %broadcast_in_dim3A_170 : vector<16x2500xi1>, vector<16x2500xf32>
    %dot_general3A_172 = arith.constant dense<0.000000e+00> : vector<16x128xf32>
    %dot_general3A_173 = tpu.matmul %select_n3A_171, %get3A_149, %dot_general3A_172 {dimension_numbers = #tpu.dot_dimension_numbers<[1], [0], [0], [1], [0, 0, 1, 1], [], []>, transpose_lhs_hint = false} : vector<16x2500xf32>, vector<2500x128xf32>, vector<16x128xf32> -> vector<16x128xf32>
    %get3A_174 = arith.index_cast %get3A_161 : i32 to index
    %get3A_175 = arith.constant 0 : index
    %get3A_176 = vector.load %arg10[%get3A_174, %get3A_175] : memref<256x128xf32, #tpu.memory_space<vmem>>, vector<16x128xf32>
    %add3A_177 = arith.addf %get3A_176, %dot_general3A_173 : vector<16x128xf32>
    %swap3A_178 = arith.index_cast %get3A_161 : i32 to index
    %swap3A_179 = arith.constant 0 : index
    %swap3A_180 = vector.load %arg10[%swap3A_178, %swap3A_179] : memref<256x128xf32, #tpu.memory_space<vmem>>, vector<16x128xf32>
    tpu.vector_store %arg10[%swap3A_178, %swap3A_179], %add3A_177 {strides = array<i32>} : memref<256x128xf32, #tpu.memory_space<vmem>>, vector<16x128xf32>,
    %get3A_181 = arith.index_cast %get3A_161 : i32 to index
    %get3A_182 = arith.constant 0 : index
    %get3A_183 = vector.load %arg11[%get3A_181, %get3A_182] : memref<256x1xf32, #tpu.memory_space<vmem>>, vector<16x1xf32>
    %convert_element_type3A_184 = arith.truncf %select_n3A_171 : vector<16x2500xf32> to vector<16x2500xbf16>
    %dot_general3A_185 = arith.constant dense<0.000000e+00> : vector<16x1xf32>
    %dot_general3A_186 = tpu.matmul %convert_element_type3A_184, %broadcast_in_dim3A_19, %dot_general3A_185 {dimension_numbers = #tpu.dot_dimension_numbers<[1], [0], [0], [1], [0, 0, 1, 1], [], []>, transpose_lhs_hint = false} : vector<16x2500xbf16>, vector<2500x1xbf16>, vector<16x1xf32> -> vector<16x1xf32>
    %add3A_187 = arith.addf %get3A_183, %dot_general3A_186 : vector<16x1xf32>
    %swap3A_188 = arith.index_cast %get3A_161 : i32 to index
    %swap3A_189 = arith.constant 0 : index
    %swap3A_190 = vector.load %arg11[%swap3A_188, %swap3A_189] : memref<256x1xf32, #tpu.memory_space<vmem>>, vector<16x1xf32>
    tpu.vector_store %arg11[%swap3A_188, %swap3A_189], %add3A_187 {strides = array<i32>} : memref<256x1xf32, #tpu.memory_space<vmem>>, vector<16x1xf32>,
    %get3A_191 = arith.constant 10000 : index
    %get3A_192 = arith.constant 0 : index
    %get3A_193 = vector.load %arg2[%get3A_191, %get3A_192] : memref<25000x128xf32, #tpu.memory_space<vmem>>, vector<2500x128xf32>
    %slice3A_194 = vector.extract_strided_slice %mul3A {offsets = [0, 10000], sizes = [1, 2500], strides = [1, 1]} : vector<1x25000xf32> to vector<1x2500xf32>
    %get3A_195 = arith.constant 0 : index
    %get3A_196 = arith.constant 0 : index
    %get3A_197 = arith.constant 10000 : index
    %get3A_198 = vector.load %arg4[%get3A_195, %get3A_196, %get3A_197] : memref<1x1x25000xi32, #tpu.memory_space<vmem>>, vector<1x1x2500xi32>
    %get3A_199 = vector.shape_cast %get3A_198 : vector<1x1x2500xi32> to vector<1x2500xi32>
    %mul3A_200 = arith.constant 10 : i32
    %mul3A_201 = arith.muli %arg0, %mul3A_200 : i32
    %add3A_202 = arith.constant 4 : i32
    %add3A_203 = arith.addi %mul3A_201, %add3A_202 : i32
    %get3A_204 = arith.index_cast %add3A_203 : i32 to index
    %get3A_205 = memref.load %arg1[%get3A_204] : memref<40xi32, #tpu.memory_space<smem>>
    %iota3A_206 = tpu.iota {dimensions = array<i32: 0>} : vector<16x2500xi32>
    %add3A_207 = vector.broadcast %get3A_205 : i32 to vector<16x2500xi32>
    %add3A_208 = arith.addi %iota3A_206, %add3A_207 : vector<16x2500xi32>
    %eq3A_209 = vector.broadcast %get3A_199 : vector<1x2500xi32> to vector<16x2500xi32>
    %eq3A_210 = arith.cmpi eq, %add3A_208, %eq3A_209 : vector<16x2500xi32>
    %jit3A_211 = arith.constant 0.000000e+00 : f32
    %broadcast_in_dim3A_212 = vector.shape_cast %slice3A_194 : vector<1x2500xf32> to vector<1x2500xf32>
    %broadcast_in_dim3A_213 = vector.broadcast %broadcast_in_dim3A_212 : vector<1x2500xf32> to vector<16x2500xf32>
    %broadcast_in_dim3A_214 = vector.broadcast %jit3A_211 : f32 to vector<16x2500xf32>
    %select_n3A_215 = arith.select %eq3A_210, %broadcast_in_dim3A_213, %broadcast_in_dim3A_214 : vector<16x2500xi1>, vector<16x2500xf32>
    %dot_general3A_216 = arith.constant dense<0.000000e+00> : vector<16x128xf32>
    %dot_general3A_217 = tpu.matmul %select_n3A_215, %get3A_193, %dot_general3A_216 {dimension_numbers = #tpu.dot_dimension_numbers<[1], [0], [0], [1], [0, 0, 1, 1], [], []>, transpose_lhs_hint = false} : vector<16x2500xf32>, vector<2500x128xf32>, vector<16x128xf32> -> vector<16x128xf32>
    %get3A_218 = arith.index_cast %get3A_205 : i32 to index
    %get3A_219 = arith.constant 0 : index
    %get3A_220 = vector.load %arg10[%get3A_218, %get3A_219] : memref<256x128xf32, #tpu.memory_space<vmem>>, vector<16x128xf32>
    %add3A_221 = arith.addf %get3A_220, %dot_general3A_217 : vector<16x128xf32>
    %swap3A_222 = arith.index_cast %get3A_205 : i32 to index
    %swap3A_223 = arith.constant 0 : index
    %swap3A_224 = vector.load %arg10[%swap3A_222, %swap3A_223] : memref<256x128xf32, #tpu.memory_space<vmem>>, vector<16x128xf32>
    tpu.vector_store %arg10[%swap3A_222, %swap3A_223], %add3A_221 {strides = array<i32>} : memref<256x128xf32, #tpu.memory_space<vmem>>, vector<16x128xf32>,
    %get3A_225 = arith.index_cast %get3A_205 : i32 to index
    %get3A_226 = arith.constant 0 : index
    %get3A_227 = vector.load %arg11[%get3A_225, %get3A_226] : memref<256x1xf32, #tpu.memory_space<vmem>>, vector<16x1xf32>
    %convert_element_type3A_228 = arith.truncf %select_n3A_215 : vector<16x2500xf32> to vector<16x2500xbf16>
    %dot_general3A_229 = arith.constant dense<0.000000e+00> : vector<16x1xf32>
    %dot_general3A_230 = tpu.matmul %convert_element_type3A_228, %broadcast_in_dim3A_19, %dot_general3A_229 {dimension_numbers = #tpu.dot_dimension_numbers<[1], [0], [0], [1], [0, 0, 1, 1], [], []>, transpose_lhs_hint = false} : vector<16x2500xbf16>, vector<2500x1xbf16>, vector<16x1xf32> -> vector<16x1xf32>
    %add3A_231 = arith.addf %get3A_227, %dot_general3A_230 : vector<16x1xf32>
    %swap3A_232 = arith.index_cast %get3A_205 : i32 to index
    %swap3A_233 = arith.constant 0 : index
    %swap3A_234 = vector.load %arg11[%swap3A_232, %swap3A_233] : memref<256x1xf32, #tpu.memory_space<vmem>>, vector<16x1xf32>
    tpu.vector_store %arg11[%swap3A_232, %swap3A_233], %add3A_231 {strides = array<i32>} : memref<256x1xf32, #tpu.memory_space<vmem>>, vector<16x1xf32>,
    %get3A_235 = arith.constant 12500 : index
    %get3A_236 = arith.constant 0 : index
    %get3A_237 = vector.load %arg2[%get3A_235, %get3A_236] : memref<25000x128xf32, #tpu.memory_space<vmem>>, vector<2500x128xf32>
    %slice3A_238 = vector.extract_strided_slice %mul3A {offsets = [0, 12500], sizes = [1, 2500], strides = [1, 1]} : vector<1x25000xf32> to vector<1x2500xf32>
    %get3A_239 = arith.constant 0 : index
    %get3A_240 = arith.constant 0 : index
    %get3A_241 = arith.constant 12500 : index
    %get3A_242 = vector.load %arg4[%get3A_239, %get3A_240, %get3A_241] : memref<1x1x25000xi32, #tpu.memory_space<vmem>>, vector<1x1x2500xi32>
    %get3A_243 = vector.shape_cast %get3A_242 : vector<1x1x2500xi32> to vector<1x2500xi32>
    %mul3A_244 = arith.constant 10 : i32
    %mul3A_245 = arith.muli %arg0, %mul3A_244 : i32
    %add3A_246 = arith.constant 5 : i32
    %add3A_247 = arith.addi %mul3A_245, %add3A_246 : i32
    %get3A_248 = arith.index_cast %add3A_247 : i32 to index
    %get3A_249 = memref.load %arg1[%get3A_248] : memref<40xi32, #tpu.memory_space<smem>>
    %iota3A_250 = tpu.iota {dimensions = array<i32: 0>} : vector<16x2500xi32>
    %add3A_251 = vector.broadcast %get3A_249 : i32 to vector<16x2500xi32>
    %add3A_252 = arith.addi %iota3A_250, %add3A_251 : vector<16x2500xi32>
    %eq3A_253 = vector.broadcast %get3A_243 : vector<1x2500xi32> to vector<16x2500xi32>
    %eq3A_254 = arith.cmpi eq, %add3A_252, %eq3A_253 : vector<16x2500xi32>
    %jit3A_255 = arith.constant 0.000000e+00 : f32
    %broadcast_in_dim3A_256 = vector.shape_cast %slice3A_238 : vector<1x2500xf32> to vector<1x2500xf32>
    %broadcast_in_dim3A_257 = vector.broadcast %broadcast_in_dim3A_256 : vector<1x2500xf32> to vector<16x2500xf32>
    %broadcast_in_dim3A_258 = vector.broadcast %jit3A_255 : f32 to vector<16x2500xf32>
    %select_n3A_259 = arith.select %eq3A_254, %broadcast_in_dim3A_257, %broadcast_in_dim3A_258 : vector<16x2500xi1>, vector<16x2500xf32>
    %dot_general3A_260 = arith.constant dense<0.000000e+00> : vector<16x128xf32>
    %dot_general3A_261 = tpu.matmul %select_n3A_259, %get3A_237, %dot_general3A_260 {dimension_numbers = #tpu.dot_dimension_numbers<[1], [0], [0], [1], [0, 0, 1, 1], [], []>, transpose_lhs_hint = false} : vector<16x2500xf32>, vector<2500x128xf32>, vector<16x128xf32> -> vector<16x128xf32>
    %get3A_262 = arith.index_cast %get3A_249 : i32 to index
    %get3A_263 = arith.constant 0 : index
    %get3A_264 = vector.load %arg10[%get3A_262, %get3A_263] : memref<256x128xf32, #tpu.memory_space<vmem>>, vector<16x128xf32>
    %add3A_265 = arith.addf %get3A_264, %dot_general3A_261 : vector<16x128xf32>
    %swap3A_266 = arith.index_cast %get3A_249 : i32 to index
    %swap3A_267 = arith.constant 0 : index
    %swap3A_268 = vector.load %arg10[%swap3A_266, %swap3A_267] : memref<256x128xf32, #tpu.memory_space<vmem>>, vector<16x128xf32>
    tpu.vector_store %arg10[%swap3A_266, %swap3A_267], %add3A_265 {strides = array<i32>} : memref<256x128xf32, #tpu.memory_space<vmem>>, vector<16x128xf32>,
    %get3A_269 = arith.index_cast %get3A_249 : i32 to index
    %get3A_270 = arith.constant 0 : index
    %get3A_271 = vector.load %arg11[%get3A_269, %get3A_270] : memref<256x1xf32, #tpu.memory_space<vmem>>, vector<16x1xf32>
    %convert_element_type3A_272 = arith.truncf %select_n3A_259 : vector<16x2500xf32> to vector<16x2500xbf16>
    %dot_general3A_273 = arith.constant dense<0.000000e+00> : vector<16x1xf32>
    %dot_general3A_274 = tpu.matmul %convert_element_type3A_272, %broadcast_in_dim3A_19, %dot_general3A_273 {dimension_numbers = #tpu.dot_dimension_numbers<[1], [0], [0], [1], [0, 0, 1, 1], [], []>, transpose_lhs_hint = false} : vector<16x2500xbf16>, vector<2500x1xbf16>, vector<16x1xf32> -> vector<16x1xf32>
    %add3A_275 = arith.addf %get3A_271, %dot_general3A_274 : vector<16x1xf32>
    %swap3A_276 = arith.index_cast %get3A_249 : i32 to index
    %swap3A_277 = arith.constant 0 : index
    %swap3A_278 = vector.load %arg11[%swap3A_276, %swap3A_277] : memref<256x1xf32, #tpu.memory_space<vmem>>, vector<16x1xf32>
    tpu.vector_store %arg11[%swap3A_276, %swap3A_277], %add3A_275 {strides = array<i32>} : memref<256x1xf32, #tpu.memory_space<vmem>>, vector<16x1xf32>,
    %get3A_279 = arith.constant 15000 : index
    %get3A_280 = arith.constant 0 : index
    %get3A_281 = vector.load %arg2[%get3A_279, %get3A_280] : memref<25000x128xf32, #tpu.memory_space<vmem>>, vector<2500x128xf32>
    %slice3A_282 = vector.extract_strided_slice %mul3A {offsets = [0, 15000], sizes = [1, 2500], strides = [1, 1]} : vector<1x25000xf32> to vector<1x2500xf32>
    %get3A_283 = arith.constant 0 : index
    %get3A_284 = arith.constant 0 : index
    %get3A_285 = arith.constant 15000 : index
    %get3A_286 = vector.load %arg4[%get3A_283, %get3A_284, %get3A_285] : memref<1x1x25000xi32, #tpu.memory_space<vmem>>, vector<1x1x2500xi32>
    %get3A_287 = vector.shape_cast %get3A_286 : vector<1x1x2500xi32> to vector<1x2500xi32>
    %mul3A_288 = arith.constant 10 : i32
    %mul3A_289 = arith.muli %arg0, %mul3A_288 : i32
    %add3A_290 = arith.constant 6 : i32
    %add3A_291 = arith.addi %mul3A_289, %add3A_290 : i32
    %get3A_292 = arith.index_cast %add3A_291 : i32 to index
    %get3A_293 = memref.load %arg1[%get3A_292] : memref<40xi32, #tpu.memory_space<smem>>
    %iota3A_294 = tpu.iota {dimensions = array<i32: 0>} : vector<16x2500xi32>
    %add3A_295 = vector.broadcast %get3A_293 : i32 to vector<16x2500xi32>
    %add3A_296 = arith.addi %iota3A_294, %add3A_295 : vector<16x2500xi32>
    %eq3A_297 = vector.broadcast %get3A_287 : vector<1x2500xi32> to vector<16x2500xi32>
    %eq3A_298 = arith.cmpi eq, %add3A_296, %eq3A_297 : vector<16x2500xi32>
    %jit3A_299 = arith.constant 0.000000e+00 : f32
    %broadcast_in_dim3A_300 = vector.shape_cast %slice3A_282 : vector<1x2500xf32> to vector<1x2500xf32>
    %broadcast_in_dim3A_301 = vector.broadcast %broadcast_in_dim3A_300 : vector<1x2500xf32> to vector<16x2500xf32>
    %broadcast_in_dim3A_302 = vector.broadcast %jit3A_299 : f32 to vector<16x2500xf32>
    %select_n3A_303 = arith.select %eq3A_298, %broadcast_in_dim3A_301, %broadcast_in_dim3A_302 : vector<16x2500xi1>, vector<16x2500xf32>
    %dot_general3A_304 = arith.constant dense<0.000000e+00> : vector<16x128xf32>
    %dot_general3A_305 = tpu.matmul %select_n3A_303, %get3A_281, %dot_general3A_304 {dimension_numbers = #tpu.dot_dimension_numbers<[1], [0], [0], [1], [0, 0, 1, 1], [], []>, transpose_lhs_hint = false} : vector<16x2500xf32>, vector<2500x128xf32>, vector<16x128xf32> -> vector<16x128xf32>
    %get3A_306 = arith.index_cast %get3A_293 : i32 to index
    %get3A_307 = arith.constant 0 : index
    %get3A_308 = vector.load %arg10[%get3A_306, %get3A_307] : memref<256x128xf32, #tpu.memory_space<vmem>>, vector<16x128xf32>
    %add3A_309 = arith.addf %get3A_308, %dot_general3A_305 : vector<16x128xf32>
    %swap3A_310 = arith.index_cast %get3A_293 : i32 to index
    %swap3A_311 = arith.constant 0 : index
    %swap3A_312 = vector.load %arg10[%swap3A_310, %swap3A_311] : memref<256x128xf32, #tpu.memory_space<vmem>>, vector<16x128xf32>
    tpu.vector_store %arg10[%swap3A_310, %swap3A_311], %add3A_309 {strides = array<i32>} : memref<256x128xf32, #tpu.memory_space<vmem>>, vector<16x128xf32>,
    %get3A_313 = arith.index_cast %get3A_293 : i32 to index
    %get3A_314 = arith.constant 0 : index
    %get3A_315 = vector.load %arg11[%get3A_313, %get3A_314] : memref<256x1xf32, #tpu.memory_space<vmem>>, vector<16x1xf32>
    %convert_element_type3A_316 = arith.truncf %select_n3A_303 : vector<16x2500xf32> to vector<16x2500xbf16>
    %dot_general3A_317 = arith.constant dense<0.000000e+00> : vector<16x1xf32>
    %dot_general3A_318 = tpu.matmul %convert_element_type3A_316, %broadcast_in_dim3A_19, %dot_general3A_317 {dimension_numbers = #tpu.dot_dimension_numbers<[1], [0], [0], [1], [0, 0, 1, 1], [], []>, transpose_lhs_hint = false} : vector<16x2500xbf16>, vector<2500x1xbf16>, vector<16x1xf32> -> vector<16x1xf32>
    %add3A_319 = arith.addf %get3A_315, %dot_general3A_318 : vector<16x1xf32>
    %swap3A_320 = arith.index_cast %get3A_293 : i32 to index
    %swap3A_321 = arith.constant 0 : index
    %swap3A_322 = vector.load %arg11[%swap3A_320, %swap3A_321] : memref<256x1xf32, #tpu.memory_space<vmem>>, vector<16x1xf32>
    tpu.vector_store %arg11[%swap3A_320, %swap3A_321], %add3A_319 {strides = array<i32>} : memref<256x1xf32, #tpu.memory_space<vmem>>, vector<16x1xf32>,
    %get3A_323 = arith.constant 17500 : index
    %get3A_324 = arith.constant 0 : index
    %get3A_325 = vector.load %arg2[%get3A_323, %get3A_324] : memref<25000x128xf32, #tpu.memory_space<vmem>>, vector<2500x128xf32>
    %slice3A_326 = vector.extract_strided_slice %mul3A {offsets = [0, 17500], sizes = [1, 2500], strides = [1, 1]} : vector<1x25000xf32> to vector<1x2500xf32>
    %get3A_327 = arith.constant 0 : index
    %get3A_328 = arith.constant 0 : index
    %get3A_329 = arith.constant 17500 : index
    %get3A_330 = vector.load %arg4[%get3A_327, %get3A_328, %get3A_329] : memref<1x1x25000xi32, #tpu.memory_space<vmem>>, vector<1x1x2500xi32>
    %get3A_331 = vector.shape_cast %get3A_330 : vector<1x1x2500xi32> to vector<1x2500xi32>
    %mul3A_332 = arith.constant 10 : i32
    %mul3A_333 = arith.muli %arg0, %mul3A_332 : i32
    %add3A_334 = arith.constant 7 : i32
    %add3A_335 = arith.addi %mul3A_333, %add3A_334 : i32
    %get3A_336 = arith.index_cast %add3A_335 : i32 to index
    %get3A_337 = memref.load %arg1[%get3A_336] : memref<40xi32, #tpu.memory_space<smem>>
    %iota3A_338 = tpu.iota {dimensions = array<i32: 0>} : vector<16x2500xi32>
    %add3A_339 = vector.broadcast %get3A_337 : i32 to vector<16x2500xi32>
    %add3A_340 = arith.addi %iota3A_338, %add3A_339 : vector<16x2500xi32>
    %eq3A_341 = vector.broadcast %get3A_331 : vector<1x2500xi32> to vector<16x2500xi32>
    %eq3A_342 = arith.cmpi eq, %add3A_340, %eq3A_341 : vector<16x2500xi32>
    %jit3A_343 = arith.constant 0.000000e+00 : f32
    %broadcast_in_dim3A_344 = vector.shape_cast %slice3A_326 : vector<1x2500xf32> to vector<1x2500xf32>
    %broadcast_in_dim3A_345 = vector.broadcast %broadcast_in_dim3A_344 : vector<1x2500xf32> to vector<16x2500xf32>
    %broadcast_in_dim3A_346 = vector.broadcast %jit3A_343 : f32 to vector<16x2500xf32>
    %select_n3A_347 = arith.select %eq3A_342, %broadcast_in_dim3A_345, %broadcast_in_dim3A_346 : vector<16x2500xi1>, vector<16x2500xf32>
    %dot_general3A_348 = arith.constant dense<0.000000e+00> : vector<16x128xf32>
    %dot_general3A_349 = tpu.matmul %select_n3A_347, %get3A_325, %dot_general3A_348 {dimension_numbers = #tpu.dot_dimension_numbers<[1], [0], [0], [1], [0, 0, 1, 1], [], []>, transpose_lhs_hint = false} : vector<16x2500xf32>, vector<2500x128xf32>, vector<16x128xf32> -> vector<16x128xf32>
    %get3A_350 = arith.index_cast %get3A_337 : i32 to index
    %get3A_351 = arith.constant 0 : index
    %get3A_352 = vector.load %arg10[%get3A_350, %get3A_351] : memref<256x128xf32, #tpu.memory_space<vmem>>, vector<16x128xf32>
    %add3A_353 = arith.addf %get3A_352, %dot_general3A_349 : vector<16x128xf32>
    %swap3A_354 = arith.index_cast %get3A_337 : i32 to index
    %swap3A_355 = arith.constant 0 : index
    %swap3A_356 = vector.load %arg10[%swap3A_354, %swap3A_355] : memref<256x128xf32, #tpu.memory_space<vmem>>, vector<16x128xf32>
    tpu.vector_store %arg10[%swap3A_354, %swap3A_355], %add3A_353 {strides = array<i32>} : memref<256x128xf32, #tpu.memory_space<vmem>>, vector<16x128xf32>,
    %get3A_357 = arith.index_cast %get3A_337 : i32 to index
    %get3A_358 = arith.constant 0 : index
    %get3A_359 = vector.load %arg11[%get3A_357, %get3A_358] : memref<256x1xf32, #tpu.memory_space<vmem>>, vector<16x1xf32>
    %convert_element_type3A_360 = arith.truncf %select_n3A_347 : vector<16x2500xf32> to vector<16x2500xbf16>
    %dot_general3A_361 = arith.constant dense<0.000000e+00> : vector<16x1xf32>
    %dot_general3A_362 = tpu.matmul %convert_element_type3A_360, %broadcast_in_dim3A_19, %dot_general3A_361 {dimension_numbers = #tpu.dot_dimension_numbers<[1], [0], [0], [1], [0, 0, 1, 1], [], []>, transpose_lhs_hint = false} : vector<16x2500xbf16>, vector<2500x1xbf16>, vector<16x1xf32> -> vector<16x1xf32>
    %add3A_363 = arith.addf %get3A_359, %dot_general3A_362 : vector<16x1xf32>
    %swap3A_364 = arith.index_cast %get3A_337 : i32 to index
    %swap3A_365 = arith.constant 0 : index
    %swap3A_366 = vector.load %arg11[%swap3A_364, %swap3A_365] : memref<256x1xf32, #tpu.memory_space<vmem>>, vector<16x1xf32>
    tpu.vector_store %arg11[%swap3A_364, %swap3A_365], %add3A_363 {strides = array<i32>} : memref<256x1xf32, #tpu.memory_space<vmem>>, vector<16x1xf32>,
    %get3A_367 = arith.constant 20000 : index
    %get3A_368 = arith.constant 0 : index
    %get3A_369 = vector.load %arg2[%get3A_367, %get3A_368] : memref<25000x128xf32, #tpu.memory_space<vmem>>, vector<2500x128xf32>
    %slice3A_370 = vector.extract_strided_slice %mul3A {offsets = [0, 20000], sizes = [1, 2500], strides = [1, 1]} : vector<1x25000xf32> to vector<1x2500xf32>
    %get3A_371 = arith.constant 0 : index
    %get3A_372 = arith.constant 0 : index
    %get3A_373 = arith.constant 20000 : index
    %get3A_374 = vector.load %arg4[%get3A_371, %get3A_372, %get3A_373] : memref<1x1x25000xi32, #tpu.memory_space<vmem>>, vector<1x1x2500xi32>
    %get3A_375 = vector.shape_cast %get3A_374 : vector<1x1x2500xi32> to vector<1x2500xi32>
    %mul3A_376 = arith.constant 10 : i32
    %mul3A_377 = arith.muli %arg0, %mul3A_376 : i32
    %add3A_378 = arith.constant 8 : i32
    %add3A_379 = arith.addi %mul3A_377, %add3A_378 : i32
    %get3A_380 = arith.index_cast %add3A_379 : i32 to index
    %get3A_381 = memref.load %arg1[%get3A_380] : memref<40xi32, #tpu.memory_space<smem>>
    %iota3A_382 = tpu.iota {dimensions = array<i32: 0>} : vector<16x2500xi32>
    %add3A_383 = vector.broadcast %get3A_381 : i32 to vector<16x2500xi32>
    %add3A_384 = arith.addi %iota3A_382, %add3A_383 : vector<16x2500xi32>
    %eq3A_385 = vector.broadcast %get3A_375 : vector<1x2500xi32> to vector<16x2500xi32>
    %eq3A_386 = arith.cmpi eq, %add3A_384, %eq3A_385 : vector<16x2500xi32>
    %jit3A_387 = arith.constant 0.000000e+00 : f32
    %broadcast_in_dim3A_388 = vector.shape_cast %slice3A_370 : vector<1x2500xf32> to vector<1x2500xf32>
    %broadcast_in_dim3A_389 = vector.broadcast %broadcast_in_dim3A_388 : vector<1x2500xf32> to vector<16x2500xf32>
    %broadcast_in_dim3A_390 = vector.broadcast %jit3A_387 : f32 to vector<16x2500xf32>
    %select_n3A_391 = arith.select %eq3A_386, %broadcast_in_dim3A_389, %broadcast_in_dim3A_390 : vector<16x2500xi1>, vector<16x2500xf32>
    %dot_general3A_392 = arith.constant dense<0.000000e+00> : vector<16x128xf32>
    %dot_general3A_393 = tpu.matmul %select_n3A_391, %get3A_369, %dot_general3A_392 {dimension_numbers = #tpu.dot_dimension_numbers<[1], [0], [0], [1], [0, 0, 1, 1], [], []>, transpose_lhs_hint = false} : vector<16x2500xf32>, vector<2500x128xf32>, vector<16x128xf32> -> vector<16x128xf32>
    %get3A_394 = arith.index_cast %get3A_381 : i32 to index
    %get3A_395 = arith.constant 0 : index
    %get3A_396 = vector.load %arg10[%get3A_394, %get3A_395] : memref<256x128xf32, #tpu.memory_space<vmem>>, vector<16x128xf32>
    %add3A_397 = arith.addf %get3A_396, %dot_general3A_393 : vector<16x128xf32>
    %swap3A_398 = arith.index_cast %get3A_381 : i32 to index
    %swap3A_399 = arith.constant 0 : index
    %swap3A_400 = vector.load %arg10[%swap3A_398, %swap3A_399] : memref<256x128xf32, #tpu.memory_space<vmem>>, vector<16x128xf32>
    tpu.vector_store %arg10[%swap3A_398, %swap3A_399], %add3A_397 {strides = array<i32>} : memref<256x128xf32, #tpu.memory_space<vmem>>, vector<16x128xf32>,
    %get3A_401 = arith.index_cast %get3A_381 : i32 to index
    %get3A_402 = arith.constant 0 : index
    %get3A_403 = vector.load %arg11[%get3A_401, %get3A_402] : memref<256x1xf32, #tpu.memory_space<vmem>>, vector<16x1xf32>
    %convert_element_type3A_404 = arith.truncf %select_n3A_391 : vector<16x2500xf32> to vector<16x2500xbf16>
    %dot_general3A_405 = arith.constant dense<0.000000e+00> : vector<16x1xf32>
    %dot_general3A_406 = tpu.matmul %convert_element_type3A_404, %broadcast_in_dim3A_19, %dot_general3A_405 {dimension_numbers = #tpu.dot_dimension_numbers<[1], [0], [0], [1], [0, 0, 1, 1], [], []>, transpose_lhs_hint = false} : vector<16x2500xbf16>, vector<2500x1xbf16>, vector<16x1xf32> -> vector<16x1xf32>
    %add3A_407 = arith.addf %get3A_403, %dot_general3A_406 : vector<16x1xf32>
    %swap3A_408 = arith.index_cast %get3A_381 : i32 to index
    %swap3A_409 = arith.constant 0 : index
    %swap3A_410 = vector.load %arg11[%swap3A_408, %swap3A_409] : memref<256x1xf32, #tpu.memory_space<vmem>>, vector<16x1xf32>
    tpu.vector_store %arg11[%swap3A_408, %swap3A_409], %add3A_407 {strides = array<i32>} : memref<256x1xf32, #tpu.memory_space<vmem>>, vector<16x1xf32>,
    %get3A_411 = arith.constant 22500 : index
    %get3A_412 = arith.constant 0 : index
    %get3A_413 = vector.load %arg2[%get3A_411, %get3A_412] : memref<25000x128xf32, #tpu.memory_space<vmem>>, vector<2500x128xf32>
    %slice3A_414 = vector.extract_strided_slice %mul3A {offsets = [0, 22500], sizes = [1, 2500], strides = [1, 1]} : vector<1x25000xf32> to vector<1x2500xf32>
    %get3A_415 = arith.constant 0 : index
    %get3A_416 = arith.constant 0 : index
    %get3A_417 = arith.constant 22500 : index
    %get3A_418 = vector.load %arg4[%get3A_415, %get3A_416, %get3A_417] : memref<1x1x25000xi32, #tpu.memory_space<vmem>>, vector<1x1x2500xi32>
    %get3A_419 = vector.shape_cast %get3A_418 : vector<1x1x2500xi32> to vector<1x2500xi32>
    %mul3A_420 = arith.constant 10 : i32
    %mul3A_421 = arith.muli %arg0, %mul3A_420 : i32
    %add3A_422 = arith.constant 9 : i32
    %add3A_423 = arith.addi %mul3A_421, %add3A_422 : i32
    %get3A_424 = arith.index_cast %add3A_423 : i32 to index
    %get3A_425 = memref.load %arg1[%get3A_424] : memref<40xi32, #tpu.memory_space<smem>>
    %iota3A_426 = tpu.iota {dimensions = array<i32: 0>} : vector<16x2500xi32>
    %add3A_427 = vector.broadcast %get3A_425 : i32 to vector<16x2500xi32>
    %add3A_428 = arith.addi %iota3A_426, %add3A_427 : vector<16x2500xi32>
    %eq3A_429 = vector.broadcast %get3A_419 : vector<1x2500xi32> to vector<16x2500xi32>
    %eq3A_430 = arith.cmpi eq, %add3A_428, %eq3A_429 : vector<16x2500xi32>
    %jit3A_431 = arith.constant 0.000000e+00 : f32
    %broadcast_in_dim3A_432 = vector.shape_cast %slice3A_414 : vector<1x2500xf32> to vector<1x2500xf32>
    %broadcast_in_dim3A_433 = vector.broadcast %broadcast_in_dim3A_432 : vector<1x2500xf32> to vector<16x2500xf32>
    %broadcast_in_dim3A_434 = vector.broadcast %jit3A_431 : f32 to vector<16x2500xf32>
    %select_n3A_435 = arith.select %eq3A_430, %broadcast_in_dim3A_433, %broadcast_in_dim3A_434 : vector<16x2500xi1>, vector<16x2500xf32>
    %dot_general3A_436 = arith.constant dense<0.000000e+00> : vector<16x128xf32>
    %dot_general3A_437 = tpu.matmul %select_n3A_435, %get3A_413, %dot_general3A_436 {dimension_numbers = #tpu.dot_dimension_numbers<[1], [0], [0], [1], [0, 0, 1, 1], [], []>, transpose_lhs_hint = false} : vector<16x2500xf32>, vector<2500x128xf32>, vector<16x128xf32> -> vector<16x128xf32>
    %get3A_438 = arith.index_cast %get3A_425 : i32 to index
    %get3A_439 = arith.constant 0 : index
    %get3A_440 = vector.load %arg10[%get3A_438, %get3A_439] : memref<256x128xf32, #tpu.memory_space<vmem>>, vector<16x128xf32>
    %add3A_441 = arith.addf %get3A_440, %dot_general3A_437 : vector<16x128xf32>
    %swap3A_442 = arith.index_cast %get3A_425 : i32 to index
    %swap3A_443 = arith.constant 0 : index
    %swap3A_444 = vector.load %arg10[%swap3A_442, %swap3A_443] : memref<256x128xf32, #tpu.memory_space<vmem>>, vector<16x128xf32>
    tpu.vector_store %arg10[%swap3A_442, %swap3A_443], %add3A_441 {strides = array<i32>} : memref<256x128xf32, #tpu.memory_space<vmem>>, vector<16x128xf32>,
    %get3A_445 = arith.index_cast %get3A_425 : i32 to index
    %get3A_446 = arith.constant 0 : index
    %get3A_447 = vector.load %arg11[%get3A_445, %get3A_446] : memref<256x1xf32, #tpu.memory_space<vmem>>, vector<16x1xf32>
    %convert_element_type3A_448 = arith.truncf %select_n3A_435 : vector<16x2500xf32> to vector<16x2500xbf16>
    %dot_general3A_449 = arith.constant dense<0.000000e+00> : vector<16x1xf32>
    %dot_general3A_450 = tpu.matmul %convert_element_type3A_448, %broadcast_in_dim3A_19, %dot_general3A_449 {dimension_numbers = #tpu.dot_dimension_numbers<[1], [0], [0], [1], [0, 0, 1, 1], [], []>, transpose_lhs_hint = false} : vector<16x2500xbf16>, vector<2500x1xbf16>, vector<16x1xf32> -> vector<16x1xf32>
    %add3A_451 = arith.addf %get3A_447, %dot_general3A_450 : vector<16x1xf32>
    %swap3A_452 = arith.index_cast %get3A_425 : i32 to index
    %swap3A_453 = arith.constant 0 : index
    %swap3A_454 = vector.load %arg11[%swap3A_452, %swap3A_453] : memref<256x1xf32, #tpu.memory_space<vmem>>, vector<16x1xf32>
    tpu.vector_store %arg11[%swap3A_452, %swap3A_453], %add3A_451 {strides = array<i32>} : memref<256x1xf32, #tpu.memory_space<vmem>>, vector<16x1xf32>,
    %eq3A_455 = arith.constant 3 : i32
    %eq3A_456 = arith.cmpi eq, %arg0, %eq3A_455 : i32
    %convert_element_type3A_457 = arith.extui %eq3A_456 : i1 to i32
    %cond3A_458 = arith.constant 0 : i32
    %cond3A_459 = arith.cmpi ne, %convert_element_type3A_457, %cond3A_458 : i32
    scf.if %cond3A_459 {
      %get3A_460 = arith.constant 0 : index
      %get3A_461 = arith.constant 0 : index
      %get3A_462 = vector.load %arg11[%get3A_460, %get3A_461] : memref<256x1xf32, #tpu.memory_space<vmem>>, vector<256x1xf32>
      %eq3A_463 = arith.constant 0.000000e+00 : f32
      %eq3A_464 = vector.broadcast %eq3A_463 : f32 to vector<256x1xf32>
      %eq3A_465 = arith.cmpf oeq, %get3A_462, %eq3A_464 : vector<256x1xf32>
      %jit3A_466 = arith.constant 1.000000e+00 : f32
      %broadcast_in_dim3A_467 = vector.broadcast %jit3A_466 : f32 to vector<256x1xf32>
      %select_n3A_468 = arith.select %eq3A_465, %broadcast_in_dim3A_467, %get3A_462 : vector<256x1xi1>, vector<256x1xf32>
      %get3A_469 = arith.constant 0 : index
      %get3A_470 = arith.constant 0 : index
      %get3A_471 = vector.load %arg10[%get3A_469, %get3A_470] : memref<256x128xf32, #tpu.memory_space<vmem>>, vector<256x128xf32>
      %get3A_472 = arith.constant 0 : index
      %get3A_473 = arith.constant 0 : index
      %get3A_474 = vector.load %arg7[%get3A_472, %get3A_473] : memref<128x128xf32, #tpu.memory_space<vmem>>, vector<128x128xf32>
      %dot_general3A_475 = arith.constant dense<0.000000e+00> : vector<256x128xf32>
      %dot_general3A_476 = tpu.matmul %get3A_471, %get3A_474, %dot_general3A_475 {dimension_numbers = #tpu.dot_dimension_numbers<[1], [0], [0], [1], [0, 0, 1, 1], [], []>, transpose_lhs_hint = false} : vector<256x128xf32>, vector<128x128xf32>, vector<256x128xf32> -> vector<256x128xf32>
      %div3A = vector.broadcast %select_n3A_468 : vector<256x1xf32> to vector<256x128xf32>
      %div3A_477 = arith.divf %dot_general3A_476, %div3A : vector<256x128xf32>
      %get3A_478 = arith.constant 0 : index
      %get3A_479 = arith.constant 0 : index
      %get3A_480 = vector.load %arg8[%get3A_478, %get3A_479] : memref<1x128xf32, #tpu.memory_space<vmem>>, vector<1x128xf32>
      %add3A_481 = vector.broadcast %get3A_480 : vector<1x128xf32> to vector<256x128xf32>
      %add3A_482 = arith.addf %div3A_477, %add3A_481 : vector<256x128xf32>
      %swap3A_483 = arith.constant 0 : index
      %swap3A_484 = arith.constant 0 : index
      %swap3A_485 = vector.load %arg9[%swap3A_483, %swap3A_484] : memref<256x128xf32, #tpu.memory_space<vmem>>, vector<256x128xf32>
      tpu.vector_store %arg9[%swap3A_483, %swap3A_484], %add3A_482 {strides = array<i32>} : memref<256x128xf32, #tpu.memory_space<vmem>>, vector<256x128xf32>,
    } else {
    }
    return
  }
  func.func @transform_0(%arg0: i32, %arg1: memref<40xi32, #tpu.memory_space<smem>>) -> (i32, i32) {
    %c0_i32 = arith.constant 0 : i32
    %c0_i32_0 = arith.constant 0 : i32
    return %arg0, %c0_i32 : i32, i32
  }
  func.func @transform_1(%arg0: i32, %arg1: memref<40xi32, #tpu.memory_space<smem>>) -> (i32, i32, i32) {
    %c0_i32 = arith.constant 0 : i32
    %c0_i32_0 = arith.constant 0 : i32
    %c0_i32_1 = arith.constant 0 : i32
    return %arg0, %c0_i32, %c0_i32_0 : i32, i32, i32
  }
  func.func @transform_2(%arg0: i32, %arg1: memref<40xi32, #tpu.memory_space<smem>>) -> (i32, i32, i32) {
    %c0_i32 = arith.constant 0 : i32
    %c0_i32_0 = arith.constant 0 : i32
    %c0_i32_1 = arith.constant 0 : i32
    return %arg0, %c0_i32, %c0_i32_0 : i32, i32, i32
  }
  func.func @transform_3(%arg0: i32, %arg1: memref<40xi32, #tpu.memory_space<smem>>) -> (i32, i32) {
    %c0_i32 = arith.constant 0 : i32
    %c0_i32_0 = arith.constant 0 : i32
    %c0_i32_1 = arith.constant 0 : i32
    return %c0_i32, %c0_i32_0 : i32, i32
  }
  func.func @transform_4(%arg0: i32, %arg1: memref<40xi32, #tpu.memory_space<smem>>) -> (i32, i32) {
    %c0_i32 = arith.constant 0 : i32
    %c0_i32_0 = arith.constant 0 : i32
    %c0_i32_1 = arith.constant 0 : i32
    return %c0_i32, %c0_i32_0 : i32, i32
  }
  func.func @transform_5(%arg0: i32, %arg1: memref<40xi32, #tpu.memory_space<smem>>) -> (i32, i32) {
    %c0_i32 = arith.constant 0 : i32
    %c0_i32_0 = arith.constant 0 : i32
    %c0_i32_1 = arith.constant 0 : i32
    return %c0_i32, %c0_i32_0 : i32, i32
  }
  func.func @transform_6(%arg0: i32, %arg1: memref<40xi32, #tpu.memory_space<smem>>) -> (i32, i32) {
    %c0_i32 = arith.constant 0 : i32
    %c0_i32_0 = arith.constant 0 : i32
    %c0_i32_1 = arith.constant 0 : i32
    return %c0_i32, %c0_i32_0 : i32, i32
  }
  func.func @transform_7(%arg0: i32, %arg1: memref<40xi32, #tpu.memory_space<smem>>) -> (i32, i32) {
    %c0_i32 = arith.constant 0 : i32
    %c0_i32_0 = arith.constant 0 : i32
    %c0_i32_1 = arith.constant 0 : i32
    return %c0_i32, %c0_i32_0 : i32, i32
  }
}

</mosaic_0001>

<sc_bundles>
// kernel: kernel.3.cloned.1.call-start
scs
__scs_entry_jumppad:
0x0: {  	(pc) =	sbr.rel $0x88, $3  }
0x1: {  	(tag) =	ssettag $0x0;
	lr =	simm.s32 $0x1  }
0x2: {  	[smem:$0x3F9A] =	sst lr;
	_ =	strace $0xD0000000  }
0x3: {  	_ = 	snop  }
0x4: {  	_ = 	snop  }
0x5: {  	_ = 	snop  }
0x6: {  	_ = 	snop  }
0x7: {  	_ = 	snop  }
__scs_overlays_trampoline_lowered:
0x8: {  	[smem:$0x3FA9] =	sst s0  }
0x9: {  	[smem:$0x3FAA] =	sst s1  }
0xa: {  	[smem:$0x3FAB] =	sst s2  }
0xb: {  	[smem:$0x3FAC] =	sst s3  }
0xc: {  	[smem:$0x3FAD] =	sst s4  }
0xd: {  	[smem:$0x3FAE] =	sst s5  }
0xe: {  	[smem:$0x3FAF] =	sst s6  }
0xf: {  	[smem:$0x3FB0] =	sst s7  }
0x10: {  	[smem:$0x3FB1] =	sst s8  }
0x11: {  	[smem:$0x3FB2] =	sst s9;
	s0 =	simm.s32 @!p0 $0x0  }
0x12: {  	s1 =	sld [smem:$0x3F98];
	s0 =	simm.s32 @p0 $0x1  }
0x13: {  	[smem:$0x3FB3] =	sst s0;
	s0 =	simm.s32 @!p1 $0x0  }
0x14: {  	s2 =	sld [smem:$0x3F97];
	s0 =	simm.s32 @p1 $0x1  }
0x15: {  	[smem:$0x3FB4] =	sst s0;
	s0 =	simm.s32 @!p2 $0x0  }
0x16: {  	s3 =	sld [smem:$0x3FDB];
	s0 =	simm.s32 @p2 $0x1  }
0x17: {  	s4 =	simm.s32 $0x1BF5;
	[smem:$0x3FB6] =	sst s0  }
0x18: {  	s0 =	sld [smem:$0x3F99];
	_ =	swait.ge [sflag:s4], $0x0  }
0x19: {  	s7 =	sld [smem:$0x3F9A]  }
0x1a: {  	s8 =	sadd.s32 $0xFFFFE003, lr  }
0x1b: {  	s9 =	sadd.s32 $0xFFFFFEF7, lr;
	s5 =	simm.s32 $0xFFFFFFFF;
	p2 =	slt.u32 s8, $0xFFFFF086  }
0x1c: {  	p1 =	slt.u32 s9, $0xF7A;
	s5 =	simm.s32 @!p2 $0x0  }
0x1d: {  	s5 =	simm.s32 @p1 $0x1;
	p0 =	seq.s32 s7, s2  }
0x1e: {  	s7 =	smul.u32 @!p0 $0xF7A, s2;
	p2 =	seq.s32 @!p0 s5, $0x0  }
0x1f: {  	s9 =	smul.u32 $0xF7A, s1;
	s8 =	simm.s32 @!p0 $0x1BF5;
	p2 =	por !p2, p0  }
0x20: {  	[sflag:s8] =	ssyncset.s32 @!p0 $0xFFFFF086;
	s6 =	sadd.s32 @!p0 s3, s7;
	s7 =	simm.s32 @!p0 $0x108  }
0x21: {  	s3 =	sadd.s32 s3, s9;
	s6 =	sadd.s32 @!p0 $0x88, s6;
	s7 =	simm.s32 @p2 $0x1082  }
0x22: {  	[simem:s7], [sflag:s8] =	dma.local @!p0 [hbm:s6], $0xF7A  }
0x23: {  	s9 =	sor.u32 $0xD0000000, s2;
	s6 =	simm.s32 $0x108;
	_ =	swait.ge @!p0 [sflag:s8], $0x0  }
0x24: {  	s3 =	sadd.s32 $0x88, s3;
	s6 =	simm.s32 @!p1 $0x1082;
	[sflag:s4] =	ssyncset.s32 $0xFFFFF086  }
0x25: {  	[simem:s6], [sflag:s4] =	dma.local [hbm:s3], $0xF7A  }
0x26: {  	[smem:$0x3F9A] =	sst s1;
	(tag) =	ssettag s2;
	_ =	strace s9  }
0x27: {  	s1 =	sld [smem:$0x3FAA]  }
0x28: {  	s2 =	sld [smem:$0x3FAB]  }
0x29: {  	s4 =	sld [smem:$0x3FAD]  }
0x2a: {  	p0 =	seq.s32 s5, $0x0;
	s5 =	sld [smem:$0x3FAE]  }
0x2b: {  	s6 =	sld [smem:$0x3FAF]  }
0x2c: {  	s7 =	sld [smem:$0x3FB0]  }
0x2d: {  	s3 =	simm.s32 $0x108;
	s8 =	sld [smem:$0x3FB1]  }
0x2e: {  	s3 =	simm.s32 @!p0 $0x1082;
	s9 =	sld [smem:$0x3FB2]  }
0x2f: {  	lr =	sadd.s32 s0, s3;
	s0 =	sld [smem:$0x3FA9]  }
0x30: {  	s3 =	sld [smem:$0x3FAC]  }
0x31: {  	[smem:$0x3FB5] =	sst s10  }
0x32: {  	s10 =	sld [smem:$0x3FB3];
	_ =	sdelay $0x3  }
0x33: {  	p0 =	seq.s32 s10, $0x1;
	s10 =	sld [smem:$0x3FB5];
	_ =	sdelay $0x3  }
0x34: {  	[smem:$0x3FB5] =	sst s10  }
0x35: {  	s10 =	sld [smem:$0x3FB4];
	_ =	sdelay $0x3  }
0x36: {  	p1 =	seq.s32 s10, $0x1;
	s10 =	sld [smem:$0x3FB5];
	_ =	sdelay $0x3  }
0x37: {  	[smem:$0x3FB5] =	sst s10  }
0x38: {  	s10 =	sld [smem:$0x3FB6]  }
0x39: {  	_ = 	snop;
	(pc) =	sbr.ind lr, $3  }
0x3a: {  	_ = 	snop  }
0x3b: {  	_ = 	snop  }
0x3c: {  	p2 =	seq.s32 s10, $0x1;
	s10 =	sld [smem:$0x3FB5]  }
0x3d: {  	_ =	shalt  }
0x3e: {  	_ =	shalt  }
0x3f: {  	_ =	shalt  }
0x40: {  	_ =	shalt  }
0x41: {  	_ =	shalt  }
0x42: {  	_ =	shalt  }
0x43: {  	_ =	shalt  }
0x44: {  	_ =	shalt  }
0x45: {  	_ =	shalt  }
0x46: {  	_ =	shalt  }
0x47: {  	_ =	shalt  }
0x48: {  	_ =	shalt  }
0x49: {  	_ =	shalt  }
0x4a: {  	_ =	shalt  }
0x4b: {  	_ =	shalt  }
0x4c: {  	_ =	shalt  }
0x4d: {  	_ =	shalt  }
0x4e: {  	_ =	shalt  }
0x4f: {  	_ =	shalt  }
0x50: {  	_ =	shalt  }
0x51: {  	_ =	shalt  }
0x52: {  	_ =	shalt  }
0x53: {  	_ =	shalt  }
0x54: {  	_ =	shalt  }
0x55: {  	_ =	shalt  }
0x56: {  	_ =	shalt  }
0x57: {  	_ =	shalt  }
0x58: {  	_ =	shalt  }
0x59: {  	_ =	shalt  }
0x5a: {  	_ =	shalt  }
0x5b: {  	_ =	shalt  }
0x5c: {  	_ =	shalt  }
0x5d: {  	_ =	shalt  }
0x5e: {  	_ =	shalt  }
0x5f: {  	_ =	shalt  }
0x60: {  	_ =	shalt  }
0x61: {  	_ =	shalt  }
0x62: {  	_ =	shalt  }
0x63: {  	_ =	shalt  }
0x64: {  	_ =	shalt  }
0x65: {  	_ =	shalt  }
0x66: {  	_ =	shalt  }
0x67: {  	_ =	shalt  }
0x68: {  	_ =	shalt  }
0x69: {  	_ =	shalt  }
0x6a: {  	_ =	shalt  }
0x6b: {  	_ =	shalt  }
0x6c: {  	_ =	shalt  }
0x6d: {  	_ =	shalt  }
0x6e: {  	_ =	shalt  }
0x6f: {  	_ =	shalt  }
0x70: {  	_ =	shalt  }
0x71: {  	_ =	shalt  }
0x72: {  	_ =	shalt  }
0x73: {  	_ =	shalt  }
0x74: {  	_ =	shalt  }
0x75: {  	_ =	shalt  }
0x76: {  	_ =	shalt  }
0x77: {  	_ =	shalt  }
0x78: {  	_ =	shalt  }
0x79: {  	_ =	shalt  }
0x7a: {  	_ =	shalt  }
0x7b: {  	_ =	shalt  }
0x7c: {  	_ =	shalt  }
0x7d: {  	_ =	shalt  }
0x7e: {  	_ =	shalt  }
0x7f: {  	_ =	shalt  }
0x80: {  	_ =	shalt  }
0x81: {  	_ =	shalt  }
0x82: {  	_ =	shalt  }
0x83: {  	_ =	shalt  }
0x84: {  	_ =	shalt  }
0x85: {  	_ =	shalt  }
0x86: {  	_ =	shalt  }
0x87: {  	_ =	shalt  }
.Lfunc_end0:
.L_simem_size_0:
called_computation_lowered:
.L_overlay_start_0:
0x88: {  	s2 =	sld [smem:$0x3FD9]  }
0x89: {  	s3 =	sld [smem:$0x3FFE];
	_ =	sdelay $0x1  }
0x8a: {  	s1 =	srdreg.scid  }
0x8b: {  	s0 =	sand.u32 $0x1, s1  }
0x8c: {  	s17 =	sshll.u32 s0, $0xA;
	s2 =	sadd.s32 s3, s2  }
0x8d: {  	s2 =	sadd.s32 s2, s17  }
0x8e: {  	[smem:$0x3FC1] =	sst s2  }
0x8f: {  	_ = 	snop  }
0x90: {  	s2 =	sld [smem:$0x3FC7];
	(tm) =	ssettm $0x1  }
0x91: {  	s18 =	sld [smem:$0x3FFB];
	_ =	sdelay $0x3  }
0x92: {  	_ =	strace s18  }
0x93: {  	s3 =	sld [smem:$0x3FFC];
	_ =	sdelay $0x3  }
0x94: {  	_ =	strace s3  }
0x95: {  	s3 =	sld [smem:$0x3FFD];
	_ =	sdelay $0x3  }
0x96: {  	_ =	strace s3  }
0x97: {  	_ =	strace $0x8FFFFFFF  }
0x98: {  	s19 =	sld [smem:$0x3FDB];
	_ =	sdelay $0x1  }
0x99: {  	s4 =	simm.s32 $_scs_section_size  }
0x9a: {  	s5 =	simm.s32 $_size__tile_overlayer_lowered;
	s6 =	simm.s32 $_tile_overlayer_lowered  }
0x9b: {  	s22 =	simm.s32 $0x1BFF;
	s21 =	sshll.u32 s6, $0x1;
	s3 =	sadd.s32 s4, s19  }
0x9c: {  	s7 =	simm.s32 $0x0;
	s20 =	sshll.u32 s5, $0x1;
	s5 =	sadd.s32 s21, s3  }
0x9d: {  	[timem:s7], [sflag:s22] =	dma.local [hbm:s5], s20  }
0x9e: {  	_ =	swait.ge [sflag:s22], s20  }
0x9f: {  	s4 =	ssub.s32 $0x0, s20;
	[sflag:s22] =	ssyncset.done $0x0  }
0xa0: {  	[sflag:s22] =	ssyncadd.s32 s4;
	_ =	sdelay $0x1  }
0xa1: {  	s23 =	simm.s32 $0x1B8B  }
0xa2: {  	_ =	swait.ge [sflag:s23], $0x1  }
0xa3: {  	[sflag:s23] =	ssyncset.done $0x0  }
0xa4: {  	s25 =	simm.s32 $0x1B8E;
	s24 =	sld [smem:$0x3FFE];
	[sflag:s23] =	ssyncadd.s32 $0xFFFFFFFF  }
0xa5: {  	s26 =	simm.s32 $execute0_lowered;
	[smem:$0x3FD2] =	sst s25  }
0xa6: {  	s5 =	sshll.u32 s26, $0x1;
	_ =	strace $0x80000046;
	[dreg:$0x1] =	wrdreg $0xFFFFFFFF  }
0xa7: {  	s28 =	simm.s32 $_size_execute0_lowered;
	s3 =	sadd.s32 s3, s5;
	[dreg:$0x0] =	wrdreg $0x0  }
0xa8: {  	s5 =	sshll.u32 s28, $0x1;
	[dreg:$0x2] =	wrdreg s3  }
0xa9: {  	[dreg:$0x3] =	wrdreg s5  }
0xaa: {  	[dreg:$0x4] =	wrdreg $0xC0  }
0xab: {  	_ =	task [dreg:s7], $0x5FFFF  }
0xac: {  	[dreg:$0x1] =	wrdreg $0xFFFFFFFF  }
0xad: {  	[dreg:$0x0] =	wrdreg $0x60  }
0xae: {  	[dreg:$0x2] =	wrdreg s2  }
0xaf: {  	[dreg:$0x3] =	wrdreg s24  }
0xb0: {  	[dreg:$0x4] =	wrdreg $0x9  }
0xb1: {  	_ =	task.clear_ibuf [dreg:s7], $0x5FFFF;
	_ =	strace $0x90000046  }
0xb2: {  	s29 =	simm.s32 $0x9;
	_ =	strace $0x80000048  }
0xb3: {  	_ =	swait.ge [sflag:s29], $0x1  }
0xb4: {  	[sflag:s29] =	ssyncadd.s32 $0xFFFFFFFF  }
0xb5: {  	_ =	strace $0x90000048  }
0xb6: {  	_ =	sfence  }
0xb7: {  	s30 =	sld [smem:$0x0];
	_ =	sdelay $0x2  }
0xb8: {  	s31 =	sshll.u32 s1, $0xD;
	s1 =	sshrl.u32 s1, $0x2  }
0xb9: {  	s3 =	sand.u32 $0x4000, s31;
	s1 =	sadd.s32 s1, s30  }
0xba: {  	s0 =	sor.u32 s3, s0;
	s1 =	sshll.u32 s1, $0x11  }
0xbb: {  	s0 =	sor.u32 s1, s0  }
0xbc: {  	s0 =	sadd.s32 $0x8F2B, s0  }
0xbd: {  	[sflag:s0] =	ssyncadd.remote.s32 $0x1  }
0xbe: {  	_ =	sfence.sel $0xFFFF  }
0xbf: {  	[dreg:$0x0] =	wrdreg $0xFFFFFFFF;
	(pc) =	sbr.abs _section_cstart, $3  }
0xc0: {  	[dreg:$0x1] =	wrdreg $0xFFFFFFFF  }
0xc1: {  	_ =	task.clear_ibuf [dreg:s7], $0x2FFFF;
	_ =	strace $0x9FFFFFFF  }
0xc2: {  	(tm) =	ssettm $0x7FFFFFFF  }
0xc3: {  	_ =	shalt  }
tec
execute0_lowered:
.L_overlay_start_1:
0x0: {  	(tag) =	ssettag $0x1  }
0x1: {  	s0 =	srdreg.scid  }
0x2: {  	s5 =	sand.u32 $0x1, s0;
	s0 =	stileid.u32  }
0x3: {  	s3 =	sor.u32 s0, s5  }
0x4: {  	p0 =	sne.s32 s3, $0x0  }
.Ltmp0:
0x5: {  	_ = 	snop;
	(pc) =	sbr.rel @p0 .LBB2_4-.Ltmp0, $4  }
0x6: {  	_ = 	snop  }
0x7: {  	s2 =	rddreg [dreg:$0x0]  }
0x8: {  	s4 =	rddreg [dreg:$0x1]  }
0x9: {  	s1 =	rddreg [dreg:$0x2];
	_ =	strace $0x80000047  }
0xa: {  	v0 =	vimm.s32 $0x17CDC;
	vm0 =	vcmask $0x300  }
0xb: {  	vm10 =	vcmask $0x704;
	v0 =	vsel vm0, $0x13880, v0  }
0xc: {  	vm11 =	vcmask $0xB08;
	v0 =	vsel vm10, $0x14244, v0  }
0xd: {  	vm12 =	vcmask $0xF0C;
	v1 =	vlaneseq.u32;
	v0 =	vsel vm11, $0x14C08, v0  }
0xe: {  	vm13 =	vcmask $0x1310;
	v1 =	vmul.u32 $0x9C4, v1;
	v0 =	vsel vm12, $0x155CC, v0  }
0xf: {  	vm14 =	vcmask $0x1714;
	v0 =	vsel vm13, $0x15F90, v0  }
0x10: {  	vm15 =	vcmask $0x1B18;
	s6 =	ssub.s32 $0x2, s5;
	v3 =	vadd.s32 $0x9C40, v1;
	[tilespmem:$0x0] =	vst v1;
	v0 =	vsel vm14, $0x16954, v0  }
0x11: {  	s9 =	simm.s32 $0x30;
	s3 =	simm.s32 $0x0;
	s7 =	sshrl.u32 s6, $0x1;
	[tilespmem:$0x10] =	vst v3;
	v2 =	vsel vm15, $0x17318, v0  }
0x12: {  	s11 =	simm.s32 $0x80;
	s10 =	simm.s32 $0x1;
	s12 =	ssub.s32 s6, s7;
	[tilespmem:$0x20] =	vst v2  }
0x13: {  	[tilespmem:s11], [sflag:$0x1] =	stream.indirect.gather [hbm4b:s2+s9], $0x1, s3, s9, $0xb8;
	[tilespmem:$0x200] =	vst v63  }
0x14: {  	p0 =	sne.s32 s12, $0x1;
	_ =	swait.ge [sflag:s10], $0x30  }
.Ltmp1:
0x15: {  	[sflag:s10] =	ssyncset.done $0x0;
	(pc) =	sbr.rel @!p0 .LBB2_3-.Ltmp1, $4  }
0x16: {  	[sflag:s10] =	ssyncadd.s32 $0xFFFFFFD0  }
0x17: {  	v5 =	vld [tilespmem:$0xA0]  }
0x18: {  	s5 =	sadd.s32 $0xE00, s4;
	s4 =	sadd.s32 $0xC00, s4;
	s8 =	simm.s32 $0x180;
	v6 =	vld [tilespmem:$0x90]  }
0x19: {  	s7 =	simm.s32 $0x100;
	s6 =	simm.s32 $0x2;
	s12 =	sadd.s32 $0xFFFFFFFF, s12;
	v0 =	vimm.s32 $0x0;
	v4 =	vld [tilespmem:$0x80]  }
.LBB2_2:
0x1a: {  	p0 =	sne.s32 s12, $0x1;
	s12 =	sadd.s32 $0xFFFFFFFF, s12;
	v7 =	vld [tilespmem:$0x0]  }
0x1b: {  	v8 =	vld [tilespmem:$0x10]  }
0x1c: {  	v5 =	vand.u32 $0xFFFFFFF8, v5;
	v9 =	vld [tilespmem:$0x20]  }
0x1d: {  	v6 =	vand.u32 $0xFFFFFFF8, v6;
	vm0 =	vlt.s32 v5, $0xF0  }
0x1e: {  	v4 =	vand.u32 $0xFFFFFFF8, v4;
	vm1 =	vlt.s32 v6, $0xF0;
	v5 =	vnsel vm0, $0xF0, v5  }
0x1f: {  	vm0 =	vlt.s32 v4, $0xF0;
	v7 =	vadd.s32 $0x9C3, v7;
	v6 =	vnsel vm1, $0xF0, v6;
	[tilespmem:$0x120] =	vst v5  }
0x20: {  	v4 =	vnsel vm0, $0xF0, v4;
	[tilespmem:$0x0] =	vst v7;
	v5 =	vadd.s32 $0x9C3, v8  }
0x21: {  	[tilespmem:$0x110] =	vst v6;
	v6 =	vadd.s32 $0x9C3, v9  }
0x22: {  	[tilespmem:$0x10] =	vst v5  }
0x23: {  	[tilespmem:$0x20] =	vst v6  }
0x24: {  	[tilespmem:$0x100] =	vst v4  }
0x25: {  	[tilespmem:s11], [sflag:$0x1] =	stream.indirect.gather [hbm4b:s2+s9], $0x1, s3, s9, $0xb8;
	[tilespmem:$0x200] =	vst v63  }
0x26: {  	_ =	swait.ge [sflag:s10], $0x30  }
0x27: {  	[sflag:s10] =	ssyncset.done $0x0  }
0x28: {  	[sflag:s10] =	ssyncadd.s32 $0xFFFFFFD0  }
0x29: {  	v4 =	vld [tilespmem:$0x80]  }
0x2a: {  	v5 =	vld [tilespmem:$0x100]  }
0x2b: {  	v6 =	vld [tilespmem:$0xA0]  }
0x2c: {  	v7 =	vld [tilespmem:$0x120]  }
0x2d: {  	v8 =	vld [tilespmem:$0x110]  }
0x2e: {  	v9 =	vld [tilespmem:$0x90]  }
0x2f: {  	v4 =	vsub.s32 v4, v5  }
0x30: {  	vm0 =	vlt.s32 v4, $0x10  }
0x31: {  	v4 =	vsel vm0, $0x1, v0;
	v5 =	vsub.s32 v6, v7  }
0x32: {  	[tilespmem:$0x180] =	vst v4;
	vm0 =	vlt.s32 v5, $0x10  }
0x33: {  	v4 =	vsub.s32 v9, v8;
	v5 =	vsel vm0, $0x1, v0  }
0x34: {  	vm0 =	vlt.s32 v4, $0x10;
	[tilespmem:$0x1A0] =	vst v5  }
0x35: {  	v4 =	vsel vm0, $0x1, v0  }
0x36: {  	[tilespmem:$0x190] =	vst v4  }
0x37: {  	[hbm4b:s5+s3] =	stream.linear.scatter [tilespmem:s7], [sflag:$0x2], $0x80, $0x38;
	[tilespmem:$0x200] =	vst v63  }
0x38: {  	_ =	swait.ge [sflag:s6], $0x80  }
0x39: {  	[sflag:s6] =	ssyncset.done $0x0  }
0x3a: {  	[sflag:s6] =	ssyncadd.s32 $0xFFFFFF80  }
0x3b: {  	[hbm4b:s4+s3] =	stream.linear.scatter [tilespmem:s8], [sflag:$0x2], $0x80, $0x38;
	[tilespmem:$0x200] =	vst v63  }
0x3c: {  	_ =	swait.ge [sflag:s6], $0x80  }
0x3d: {  	[sflag:s6] =	ssyncset.done $0x0  }
0x3e: {  	[sflag:s6] =	ssyncadd.s32 $0xFFFFFF80  }
0x3f: {  	[tilespmem:$0x20] =	vst v2  }
0x40: {  	[tilespmem:$0x0] =	vst v1  }
0x41: {  	[tilespmem:$0x10] =	vst v3  }
0x42: {  	[tilespmem:s11], [sflag:$0x1] =	stream.indirect.gather [hbm4b:s2+s9], $0x1, s3, s9, $0xb8;
	[tilespmem:$0x200] =	vst v63  }
0x43: {  	_ =	swait.ge [sflag:s10], $0x30  }
.Ltmp2:
0x44: {  	[sflag:s10] =	ssyncset.done $0x0;
	(pc) =	sbr.rel @p0 .LBB2_2-.Ltmp2, $4  }
0x45: {  	[sflag:s10] =	ssyncadd.s32 $0xFFFFFFD0  }
0x46: {  	v5 =	vld [tilespmem:$0xA0]  }
0x47: {  	v6 =	vld [tilespmem:$0x90]  }
0x48: {  	v4 =	vld [tilespmem:$0x80]  }
.LBB2_3:
0x49: {  	v1 =	vld [tilespmem:$0x0];
	_ =	sdelay $0x1  }
0x4a: {  	v2 =	vld [tilespmem:$0x10];
	v3 =	vand.u32 $0xFFFFFFF8, v5  }
0x4b: {  	v49 =	vld [tilespmem:$0x20];
	vm0 =	vlt.s32 v3, $0xF0  }
0x4c: {  	v6 =	vand.u32 $0xFFFFFFF8, v6;
	v3 =	vnsel vm0, $0xF0, v3  }
0x4d: {  	vm11 =	vlt.s32 v6, $0xF0;
	v1 =	vadd.s32 $0x9C3, v1;
	[tilespmem:$0x120] =	vst v3  }
0x4e: {  	v50 =	vnsel vm11, $0xF0, v6;
	[tilespmem:$0x0] =	vst v1  }
0x4f: {  	v51 =	vand.u32 $0xFFFFFFF8, v4;
	v2 =	vadd.s32 $0x9C3, v2;
	[tilespmem:$0x110] =	vst v50  }
0x50: {  	vm12 =	vlt.s32 v51, $0xF0;
	v52 =	vadd.s32 $0x9C3, v49;
	[tilespmem:$0x10] =	vst v2  }
0x51: {  	v1 =	vnsel vm12, $0xF0, v51;
	[tilespmem:$0x20] =	vst v52  }
0x52: {  	[tilespmem:$0x100] =	vst v1  }
0x53: {  	[tilespmem:s11], [sflag:$0x1] =	stream.indirect.gather [hbm4b:s2+s9], $0x1, s3, s9, $0xb8;
	[tilespmem:$0x200] =	vst v63  }
0x54: {  	_ =	swait.ge [sflag:s10], $0x30  }
0x55: {  	[sflag:s10] =	ssyncset.done $0x0  }
0x56: {  	[sflag:s10] =	ssyncadd.s32 $0xFFFFFFD0  }
0x57: {  	v53 =	vld [tilespmem:$0x80]  }
0x58: {  	v54 =	vld [tilespmem:$0x100]  }
0x59: {  	v55 =	vld [tilespmem:$0xA0]  }
0x5a: {  	v56 =	vld [tilespmem:$0x120]  }
0x5b: {  	v57 =	vld [tilespmem:$0x110]  }
0x5c: {  	v58 =	vld [tilespmem:$0x90];
	_ =	sdelay $0x2  }
0x5d: {  	v1 =	vsub.s32 v53, v54  }
0x5e: {  	v59 =	vsub.s32 v55, v56;
	vm13 =	vlt.s32 v1, $0x10  }
0x5f: {  	v61 =	vsub.s32 v58, v57;
	vm14 =	vlt.s32 v59, $0x10;
	v60 =	vsel vm13, $0x1, v0  }
0x60: {  	vm15 =	vlt.s32 v61, $0x10;
	v62 =	vsel vm14, $0x1, v0;
	[tilespmem:$0x180] =	vst v60  }
0x61: {  	v63 =	vsel vm15, $0x1, v0;
	[tilespmem:$0x1A0] =	vst v62  }
0x62: {  	[tilespmem:$0x190] =	vst v63  }
0x63: {  	[hbm4b:s5+s3] =	stream.linear.scatter [tilespmem:s7], [sflag:$0x2], $0x80, $0x38;
	[tilespmem:$0x200] =	vst v63  }
0x64: {  	_ =	swait.ge [sflag:s6], $0x80  }
0x65: {  	[sflag:s6] =	ssyncset.done $0x0  }
0x66: {  	[sflag:s6] =	ssyncadd.s32 $0xFFFFFF80  }
0x67: {  	[hbm4b:s4+s3] =	stream.linear.scatter [tilespmem:s8], [sflag:$0x2], $0x80, $0x38;
	[tilespmem:$0x200] =	vst v63  }
0x68: {  	_ =	swait.ge [sflag:s6], $0x80  }
0x69: {  	[sflag:s6] =	ssyncset.done $0x0  }
0x6a: {  	[sflag:s6] =	ssyncadd.s32 $0xFFFFFF80  }
.LBB2_4:
0x6b: {  	_ =	sfence.sel $0x180000  }
0x6c: {  	[bflag:$0x0] =	sbarrier.arrive $0xFFFF  }
0x6d: {  	p0 =	sne.s32 s0, $0x0;
	_ =	strace $0x90000047  }
0x6e: {  	s0 =	sadd.s32 @!p0 $0x100000, s1;
	[bflag:$0x2] =	sbarrier.arrive $0xFFFF  }
0x6f: {  	[sflag:s0] =	ssyncadd.tile.s32 @!p0 $0x1;
	_ =	shalt  }
.Lfunc_end2:
_tile_overlayer_lowered:
.L_overlay_start_2:
0x70: {  	(tag) =	ssettag $0x2  }
0x71: {  	s0 =	rddreg [dreg:$0x0];
	s2 =	stileid.u32  }
0x72: {  	s1 =	rddreg [dreg:$0x1];
	p0 =	sne.s32 s2, $0x0  }
0x73: {  	s3 =	rddreg [dreg:$0x2];
	[bflag:$0x3] =	sbarrier.arrive $0xFFFF;
	s2 =	simm.s32 @!p0 $0x1C02  }
0x74: {  	[timem:s3], [sflag:s2] =	dma.local @!p0 [hbm:s0], s1  }
0x75: {  	s0 =	simm.s32 @!p0 $0x2  }
0x76: {  	_ =	swait.ge @!p0 [sflag:s0], s1  }
0x77: {  	s1 =	ssub.s32 @!p0 $0x0, s1;
	[sflag:s0] =	ssyncset.done @!p0 $0x0  }
0x78: {  	[sflag:s0] =	ssyncadd.s32 @!p0 s1  }
0x79: {  	[bflag:$0x3] =	sbarrier.arrive $0xFFFF  }
0x7a: {  	_ =	shalt  }

</sc_bundles>
